<compile_context>
chip_gen: v7x
topology: tpu7x:2x2x1
jax: 0.10.2.dev20260603
libtpu: 0.0.44.dev20260713+nightly
codegen_flags: <defaults>
</compile_context>

<pallas_src>
import functools

import jax
import jax.numpy as jnp
from jax import lax
from jax.experimental import pallas as pl
from jax.experimental.pallas import tpu as pltpu
from jax.experimental.pallas import tpu_sc as plsc

N = 10000
E = 320000
D = 128
R = 32
A = 5

NC = 2
NS = 16
NW = NC * NS
EPW = E // NW
CH = 80
NCHUNK = EPW // CH
RPT = 624

_mesh = plsc.VectorSubcoreMesh(core_axis_name="c", subcore_axis_name="s")


@functools.partial(
    pl.kernel,
    out_type=jax.ShapeDtypeStruct((NC * N, D), jnp.float32),
    mesh=_mesh,
    scratch_types=[
        pltpu.VMEM((EPW,), jnp.int32),
        pltpu.VMEM((NCHUNK, CH), jnp.int32),
        [pltpu.VMEM((CH, D), jnp.float32)] * 2,
        pltpu.MemorySpace.VMEM_SHARED((N, D), jnp.float32),
        [pltpu.SemaphoreType.DMA] * 2,
    ],
)
def _sc_conv(cidx_hbm, dst_hbm, t_hbm, out_hbm,
             cidx_v, dst_v, rows, agg, semx):
    c = lax.axis_index("c")
    s = lax.axis_index("s")
    wid = c * NS + s

    pltpu.sync_copy(cidx_hbm.at[wid], cidx_v)
    pltpu.sync_copy(dst_hbm.at[wid], dst_v)

    def _zrow(r, _):
        for j in range(D // 16):
            rows[0][r, pl.ds(j * 16, 16)] = jnp.zeros((16,), jnp.float32)
        return 0
    lax.fori_loop(0, CH, _zrow, 0)

    base = s * RPT
    for t in range(RPT // CH):
        pltpu.sync_copy(rows[0], agg.at[pl.ds(base + t * CH, CH)])
    if RPT % CH:
        pltpu.sync_copy(rows[0].at[pl.ds(0, RPT % CH)],
                        agg.at[pl.ds(base + (RPT // CH) * CH, RPT % CH)])

    @pl.when(s == NS - 1)
    def _zero_tail():
        pltpu.sync_copy(rows[0].at[pl.ds(0, 16)], agg.at[pl.ds(NS * RPT, 16)])

    plsc.subcore_barrier()

    def _fetch(k, b):
        pltpu.async_copy(t_hbm.at[cidx_v.at[pl.ds(k * CH, CH)]], rows[b], semx[b])

    def _consume(k, b):
        pltpu.make_async_copy(t_hbm.at[cidx_v.at[pl.ds(k * CH, CH)]],
                              rows[b], semx[b]).wait()
        pltpu.sync_copy(rows[b], agg.at[dst_v.at[k]], add=True)

    _fetch(0, 0)

    def _pair(i, _):
        _fetch(2 * i + 1, 1)
        _consume(2 * i, 0)
        _fetch(2 * i + 2, 0)
        _consume(2 * i + 1, 1)
        return 0

    lax.fori_loop(0, (NCHUNK - 1) // 2, _pair, 0)
    _consume(NCHUNK - 1, 0)
    plsc.subcore_barrier()

    pltpu.sync_copy(agg.at[pl.ds(base, RPT)], out_hbm.at[pl.ds(c * N + base, RPT)])

    @pl.when(s == NS - 1)
    def _write_tail():
        pltpu.sync_copy(agg.at[pl.ds(NS * RPT, 16)],
                        out_hbm.at[pl.ds(c * N + NS * RPT, 16)])


_BLK = 400
_DH = D // 2


def _rot_block(x, rel_ref, t, o_ref):
    onehot = (lax.broadcasted_iota(jnp.int32, (R, 1), 0) == t).astype(jnp.float32)
    relrow = jnp.sum(rel_ref[...] * onehot, axis=0, keepdims=True)
    hre = x[:, :_DH]
    him = x[:, _DH:]
    rre = relrow[:, :_DH]
    rim = relrow[:, _DH:]
    o_ref[:, :_DH] = hre * rre - him * rim
    o_ref[:, _DH:] = hre * rim + him * rre


def _tc_rot_body(x_ref, rel_ref, o_ref):
    _rot_block(x_ref[...], rel_ref, pl.program_id(1), o_ref)


def _tc_convrot_body(p0_ref, p1_ref, w_ref, b_ref, rel_ref, o_ref, x_s):
    @pl.when(pl.program_id(1) == 0)
    def _compute_x():
        x_s[...] = jnp.maximum(
            (p0_ref[...] + p1_ref[...]) @ w_ref[...] + b_ref[...], 0.0)

    _rot_block(x_s[...], rel_ref, pl.program_id(1), o_ref)


_tc_convrot = pl.pallas_call(
    _tc_convrot_body,
    grid=(N // _BLK, R),
    in_specs=[
        pl.BlockSpec((_BLK, D), lambda j, t: (j, 0)),
        pl.BlockSpec((_BLK, D), lambda j, t: (N // _BLK + j, 0)),
        pl.BlockSpec((D, D), lambda j, t: (0, 0)),
        pl.BlockSpec((1, D), lambda j, t: (0, 0)),
        pl.BlockSpec((R, D), lambda j, t: (0, 0)),
    ],
    out_specs=pl.BlockSpec((_BLK, D), lambda j, t: (t * (N // _BLK) + j, 0)),
    out_shape=jax.ShapeDtypeStruct((R * N, D), jnp.float32),
    scratch_shapes=[pltpu.VMEM((_BLK, D), jnp.float32)],
)


_tc_rot = pl.pallas_call(
    _tc_rot_body,
    grid=(N // _BLK, R),
    in_specs=[
        pl.BlockSpec((_BLK, D), lambda j, t: (j, 0)),
        pl.BlockSpec((R, D), lambda j, t: (0, 0)),
    ],
    out_specs=pl.BlockSpec((_BLK, D), lambda j, t: (t * (N // _BLK) + j, 0)),
    out_shape=jax.ShapeDtypeStruct((R * N, D), jnp.float32),
)


def _tc_head_body(p0_ref, p1_ref, w2_ref, b2_ref, wm1_ref, bm1_ref,
                  wm2_ref, bm2_ref, wav_ref, bav_ref, o_ref):
    x = jnp.maximum((p0_ref[...] + p1_ref[...]) @ w2_ref[...] + b2_ref[...], 0.0)
    h = jnp.maximum(x @ wm1_ref[...] + bm1_ref[...], 0.0)
    h = jnp.maximum(h @ wm2_ref[...] + bm2_ref[...], 0.0)
    av = h @ wav_ref[...] + bav_ref[...]
    adv = av[:, :A]
    val = av[:, A:A + 1]
    o_ref[...] = val + adv - jnp.mean(adv, axis=-1, keepdims=True)


_H = 128

_tc_head = pl.pallas_call(
    _tc_head_body,
    grid=(N // _BLK,),
    in_specs=[
        pl.BlockSpec((_BLK, D), lambda i: (i, 0)),
        pl.BlockSpec((_BLK, D), lambda i: (N // _BLK + i, 0)),
        pl.BlockSpec((D, D), lambda i: (0, 0)),
        pl.BlockSpec((1, D), lambda i: (0, 0)),
        pl.BlockSpec((D, _H), lambda i: (0, 0)),
        pl.BlockSpec((1, _H), lambda i: (0, 0)),
        pl.BlockSpec((_H, _H), lambda i: (0, 0)),
        pl.BlockSpec((1, _H), lambda i: (0, 0)),
        pl.BlockSpec((_H, A + 1), lambda i: (0, 0)),
        pl.BlockSpec((1, A + 1), lambda i: (0, 0)),
    ],
    out_specs=pl.BlockSpec((_BLK, A), lambda i: (i, 0)),
    out_shape=jax.ShapeDtypeStruct((N, A), jnp.float32),
)


def kernel(edge_index, edge_type, entity_emb, rel_emb, W1, b1, W2, b2,
           Wm1, bm1, Wm2, bm2, Wa, ba, Wv, bv):
    src = edge_index[0].astype(jnp.int32)
    dst = edge_index[1].astype(jnp.int32)
    typ = edge_type.astype(jnp.int32)
    cidx = (typ * N + src).reshape(NW, EPW)
    dst3 = dst.reshape(NW, NCHUNK, CH)

    t1 = _tc_rot(entity_emb, rel_emb)
    p = _sc_conv(cidx, dst3, t1)
    t2 = _tc_convrot(p, p, W1, b1.reshape(1, D), rel_emb)
    p2 = _sc_conv(cidx, dst3, t2)

    wav = jnp.concatenate([Wa, Wv], axis=1)
    bav = jnp.concatenate([ba, bv]).reshape(1, A + 1)
    return _tc_head(p2, p2, W2, b2.reshape(1, D),
                    Wm1, bm1.reshape(1, _H), Wm2, bm2.reshape(1, _H),
                    wav, bav)

# --- scband reference (transcript-rebuilt; emitter-appended) ---
"""Pipeline reference for scband-gnn-30872224924052 (READ-ONLY COPY).

The authoritative reference and input builder live on the scoring server;
editing this copy changes nothing except your own understanding.
"""

import jax, jax.numpy as jnp
import numpy as np

N = 10000   # n_nodes (entities)
E = 320000  # n_edges
D = 128     # embedding_dim
R = 32      # num relation embeddings (16 relations doubled with inverses)
H = 128     # mlp hidden size
A = 5       # explore n_actions


def setup_inputs(seed: int = 0) -> dict:
    key = jax.random.key(seed)
    ks = jax.random.split(key, 16)
    edge_index = jax.random.randint(ks[0], (2, E), 0, N)
    edge_type = jax.random.randint(ks[1], (E,), 0, R)
    # xavier-normal entity embeddings
    entity_emb = jax.random.normal(ks[2], (N, D), dtype=jnp.float32) * np.sqrt(2.0 / (N + D))
    # rotate-style relation embeddings built from random phases (as in __init__)
    phases = 2.0 * np.pi * jax.random.uniform(ks[3], (R // 2, D // 2), dtype=jnp.float32)
    rel_emb = jnp.concatenate([
        jnp.concatenate([jnp.cos(phases), jnp.sin(phases)], axis=-1),
        jnp.concatenate([jnp.cos(phases), -jnp.sin(phases)], axis=-1),
    ], axis=0)  # [R, D]
    s = 1.0 / np.sqrt(D)
    W1 = jax.random.normal(ks[4], (D, D), dtype=jnp.float32) * s
    b1 = jnp.zeros((D,), jnp.float32)
    W2 = jax.random.normal(ks[5], (D, D), dtype=jnp.float32) * s
    b2 = jnp.zeros((D,), jnp.float32)
    Wm1 = jax.random.normal(ks[6], (D, H), dtype=jnp.float32) * s
    bm1 = jnp.zeros((H,), jnp.float32)
    Wm2 = jax.random.normal(ks[7], (H, H), dtype=jnp.float32) * (1.0 / np.sqrt(H))
    bm2 = jnp.zeros((H,), jnp.float32)
    Wa = jax.random.normal(ks[8], (H, A), dtype=jnp.float32) * (1.0 / np.sqrt(H))
    ba = jnp.zeros((A,), jnp.float32)
    Wv = jax.random.normal(ks[9], (H, 1), dtype=jnp.float32) * (1.0 / np.sqrt(H))
    bv = jnp.zeros((1,), jnp.float32)
    return {"edge_index": edge_index, "edge_type": edge_type, "entity_emb": entity_emb,
            "rel_emb": rel_emb, "W1": W1, "b1": b1, "W2": W2, "b2": b2,
            "Wm1": Wm1, "bm1": bm1, "Wm2": Wm2, "bm2": bm2,
            "Wa": Wa, "ba": ba, "Wv": Wv, "bv": bv}


def _rotate(h, r):
    # complex (rotate) composition used by StarE message construction
    d = h.shape[-1] // 2
    h_re, h_im = h[..., :d], h[..., d:]
    r_re, r_im = r[..., :d], r[..., d:]
    return jnp.concatenate([h_re * r_re - h_im * r_im,
                            h_re * r_im + h_im * r_re], axis=-1)


def reference(edge_index, edge_type, entity_emb, rel_emb, W1, b1, W2, b2,
              Wm1, bm1, Wm2, bm2, Wa, ba, Wv, bv):
    src, dst = edge_index[0], edge_index[1]
    x = entity_emb
    # two StarE-style conv layers: gather src embeddings, rotate-compose with
    # relation embeddings, linear transform, scatter-add to dst, relu between layers
    for (W, b) in ((W1, b1), (W2, b2)):
        msg = _rotate(x[src], rel_emb[edge_type]) @ W  # [E, D]
        agg = jax.ops.segment_sum(msg, dst, num_segments=N) + b
        x = jax.nn.relu(agg)
    # dueling-DQN explore MLP applied to node embeddings (eval mode: dropout off)
    h = jax.nn.relu(x @ Wm1 + bm1)
    h = jax.nn.relu(h @ Wm2 + bm2)
    adv = h @ Wa + ba           # [N, 5]
    val = h @ Wv + bv           # [N, 1]
    q_explore = val + adv - jnp.mean(adv, axis=-1, keepdims=True)
    return q_explore

if __name__ == "__main__":
    import jax
    _d = setup_inputs()
    print(jax.jit(kernel)(*tuple(_d.values())))

</pallas_src>

<mosaic_0001>
#map = affine_map<(d0, d1) -> (0, 0)>
#map1 = affine_map<(d0, d1) -> (0, 0, 0)>
module attributes {stable_mosaic.version = 14 : i64} {
  func.func @_sc_conv(%arg0: i32, %arg1: i32, %arg2: memref<32x10000xi32, #tpu.memory_space<hbm>>, %arg3: memref<32x125x80xi32, #tpu.memory_space<hbm>>, %arg4: memref<320000x128xf32, #tpu.memory_space<hbm>>, %arg5: memref<20000x128xf32, #tpu.memory_space<hbm>>, %arg6: memref<10000xi32, #tpu.memory_space<vmem>>, %arg7: memref<125x80xi32, #tpu.memory_space<vmem>>, %arg8: memref<80x128xf32, #tpu.memory_space<vmem>>, %arg9: memref<80x128xf32, #tpu.memory_space<vmem>>, %arg10: memref<10000x128xf32, #tpu.memory_space<vmem_shared>>, %arg11: memref<!tpu.dma_semaphore, #tpu.memory_space<semaphore_mem>>, %arg12: memref<!tpu.dma_semaphore, #tpu.memory_space<semaphore_mem>>) attributes {dimension_semantics = [#tpu.dimension_semantics<core_parallel>, #tpu.dimension_semantics<subcore_parallel>], iteration_bounds = array<i64: 2, 16>, scalar_prefetch = 0 : i64, scratch_operands = 7 : i64, tpu.core_type = #tpu.core_type<sc_vector_subcore>, window_params = [{transform_indices = #map}, {transform_indices = #map1}, {transform_indices = #map}, {transform_indices = #map}]} {
    %mul3A = arith.constant 16 : i32
    %mul3A_0 = arith.muli %arg0, %mul3A : i32
    %add3A = arith.addi %mul3A_0, %arg1 : i32
    "tpu.region"() ({
      %run_scoped3A_51 = tpu.sem_alloc : memref<!tpu.dma_semaphore, #tpu.memory_space<semaphore_mem>>
      %dma_start3A_52 = arith.constant 0 : i32
      %dma_start3A_53 = tpu.memref_slice %arg2[%add3A, %dma_start3A_52] : memref<32x10000xi32, #tpu.memory_space<hbm>> -> memref<1x10000xi32, #tpu.memory_space<hbm>>
      %dma_start3A_54 = tpu.memref_squeeze %dma_start3A_53 : memref<1x10000xi32, #tpu.memory_space<hbm>> -> memref<10000xi32, #tpu.memory_space<hbm>>
      %dma_start3A_55 = arith.constant 0 : i32
      %dma_start3A_56 = tpu.memref_slice %arg2[%add3A, %dma_start3A_55] : memref<32x10000xi32, #tpu.memory_space<hbm>> -> memref<1x10000xi32, #tpu.memory_space<hbm>>
      %dma_start3A_57 = tpu.memref_squeeze %dma_start3A_56 : memref<1x10000xi32, #tpu.memory_space<hbm>> -> memref<10000xi32, #tpu.memory_space<hbm>>
      tpu.enqueue_dma source(%dma_start3A_57 : memref<10000xi32, #tpu.memory_space<hbm>>) target(%arg6 : memref<10000xi32, #tpu.memory_space<vmem>>) target_semaphore(%run_scoped3A_51 : memref<!tpu.dma_semaphore, #tpu.memory_space<semaphore_mem>>)
      %dma_wait3A_58 = arith.constant 0 : i32
      %dma_wait3A_59 = tpu.memref_slice %arg2[%add3A, %dma_wait3A_58] : memref<32x10000xi32, #tpu.memory_space<hbm>> -> memref<1x10000xi32, #tpu.memory_space<hbm>>
      %dma_wait3A_60 = tpu.memref_squeeze %dma_wait3A_59 : memref<1x10000xi32, #tpu.memory_space<hbm>> -> memref<10000xi32, #tpu.memory_space<hbm>>
      %dma_wait3A_61 = arith.constant 0 : i32
      %dma_wait3A_62 = tpu.memref_slice %arg2[%add3A, %dma_wait3A_61] : memref<32x10000xi32, #tpu.memory_space<hbm>> -> memref<1x10000xi32, #tpu.memory_space<hbm>>
      %dma_wait3A_63 = tpu.memref_squeeze %dma_wait3A_62 : memref<1x10000xi32, #tpu.memory_space<hbm>> -> memref<10000xi32, #tpu.memory_space<hbm>>
      tpu.wait_dma2 semaphore(%run_scoped3A_51 : memref<!tpu.dma_semaphore, #tpu.memory_space<semaphore_mem>>) src(%dma_wait3A_63 : memref<10000xi32, #tpu.memory_space<hbm>>) dst(%arg6 : memref<10000xi32, #tpu.memory_space<vmem>>)
      tpu.yield
    }) : () -> ()
    "tpu.region"() ({
      %run_scoped3A_51 = tpu.sem_alloc : memref<!tpu.dma_semaphore, #tpu.memory_space<semaphore_mem>>
      %dma_start3A_52 = arith.constant 0 : i32
      %dma_start3A_53 = arith.constant 0 : i32
      %dma_start3A_54 = tpu.memref_slice %arg3[%add3A, %dma_start3A_52, %dma_start3A_53] : memref<32x125x80xi32, #tpu.memory_space<hbm>> -> memref<1x125x80xi32, #tpu.memory_space<hbm>>
      %dma_start3A_55 = tpu.memref_squeeze %dma_start3A_54 : memref<1x125x80xi32, #tpu.memory_space<hbm>> -> memref<125x80xi32, #tpu.memory_space<hbm>>
      %dma_start3A_56 = arith.constant 0 : i32
      %dma_start3A_57 = arith.constant 0 : i32
      %dma_start3A_58 = tpu.memref_slice %arg3[%add3A, %dma_start3A_56, %dma_start3A_57] : memref<32x125x80xi32, #tpu.memory_space<hbm>> -> memref<1x125x80xi32, #tpu.memory_space<hbm>>
      %dma_start3A_59 = tpu.memref_squeeze %dma_start3A_58 : memref<1x125x80xi32, #tpu.memory_space<hbm>> -> memref<125x80xi32, #tpu.memory_space<hbm>>
      tpu.enqueue_dma source(%dma_start3A_59 : memref<125x80xi32, #tpu.memory_space<hbm>>) target(%arg7 : memref<125x80xi32, #tpu.memory_space<vmem>>) target_semaphore(%run_scoped3A_51 : memref<!tpu.dma_semaphore, #tpu.memory_space<semaphore_mem>>)
      %dma_wait3A_60 = arith.constant 0 : i32
      %dma_wait3A_61 = arith.constant 0 : i32
      %dma_wait3A_62 = tpu.memref_slice %arg3[%add3A, %dma_wait3A_60, %dma_wait3A_61] : memref<32x125x80xi32, #tpu.memory_space<hbm>> -> memref<1x125x80xi32, #tpu.memory_space<hbm>>
      %dma_wait3A_63 = tpu.memref_squeeze %dma_wait3A_62 : memref<1x125x80xi32, #tpu.memory_space<hbm>> -> memref<125x80xi32, #tpu.memory_space<hbm>>
      %dma_wait3A_64 = arith.constant 0 : i32
      %dma_wait3A_65 = arith.constant 0 : i32
      %dma_wait3A_66 = tpu.memref_slice %arg3[%add3A, %dma_wait3A_64, %dma_wait3A_65] : memref<32x125x80xi32, #tpu.memory_space<hbm>> -> memref<1x125x80xi32, #tpu.memory_space<hbm>>
      %dma_wait3A_67 = tpu.memref_squeeze %dma_wait3A_66 : memref<1x125x80xi32, #tpu.memory_space<hbm>> -> memref<125x80xi32, #tpu.memory_space<hbm>>
      tpu.wait_dma2 semaphore(%run_scoped3A_51 : memref<!tpu.dma_semaphore, #tpu.memory_space<semaphore_mem>>) src(%dma_wait3A_67 : memref<125x80xi32, #tpu.memory_space<hbm>>) dst(%arg7 : memref<125x80xi32, #tpu.memory_space<vmem>>)
      tpu.yield
    }) : () -> ()
    %scan3A = arith.constant 0 : i32
    %scan3A_1 = arith.constant 0 : i32
    %scan3A_2 = arith.constant 80 : i32
    %scan3A_3 = arith.addi %scan3A_1, %scan3A_2 : i32
    %scan3A_4 = arith.constant 1 : i32
    %scan3A_5 = scf.for %scan3A_51 = %scan3A_1 to %scan3A_3 step %scan3A_4 iter_args(%scan3A_52 = %scan3A) -> (i32)  : i32 {
      %broadcast_in_dim3A = arith.constant 0.000000e+00 : f32
      %broadcast_in_dim3A_53 = vector.broadcast %broadcast_in_dim3A : f32 to vector<16xf32>
      %swap3A = arith.index_cast %scan3A_51 : i32 to index
      %swap3A_54 = arith.constant 0 : index
      %swap3A_55 = tpu.vector_load %arg8[%swap3A, %swap3A_54] {strides = array<i32>} : memref<80x128xf32, #tpu.memory_space<vmem>>, vector<1x16xf32>,
      %swap3A_56 = vector.shape_cast %swap3A_55 : vector<1x16xf32> to vector<16xf32>
      %swap3A_57 = vector.shape_cast %broadcast_in_dim3A_53 : vector<16xf32> to vector<1x16xf32>
      tpu.vector_store %arg8[%swap3A, %swap3A_54], %swap3A_57 {strides = array<i32>} : memref<80x128xf32, #tpu.memory_space<vmem>>, vector<1x16xf32>,
      %broadcast_in_dim3A_58 = arith.constant 0.000000e+00 : f32
      %broadcast_in_dim3A_59 = vector.broadcast %broadcast_in_dim3A_58 : f32 to vector<16xf32>
      %swap3A_60 = arith.index_cast %scan3A_51 : i32 to index
      %swap3A_61 = arith.constant 16 : index
      %swap3A_62 = tpu.vector_load %arg8[%swap3A_60, %swap3A_61] {strides = array<i32>} : memref<80x128xf32, #tpu.memory_space<vmem>>, vector<1x16xf32>,
      %swap3A_63 = vector.shape_cast %swap3A_62 : vector<1x16xf32> to vector<16xf32>
      %swap3A_64 = vector.shape_cast %broadcast_in_dim3A_59 : vector<16xf32> to vector<1x16xf32>
      tpu.vector_store %arg8[%swap3A_60, %swap3A_61], %swap3A_64 {strides = array<i32>} : memref<80x128xf32, #tpu.memory_space<vmem>>, vector<1x16xf32>,
      %broadcast_in_dim3A_65 = arith.constant 0.000000e+00 : f32
      %broadcast_in_dim3A_66 = vector.broadcast %broadcast_in_dim3A_65 : f32 to vector<16xf32>
      %swap3A_67 = arith.index_cast %scan3A_51 : i32 to index
      %swap3A_68 = arith.constant 32 : index
      %swap3A_69 = tpu.vector_load %arg8[%swap3A_67, %swap3A_68] {strides = array<i32>} : memref<80x128xf32, #tpu.memory_space<vmem>>, vector<1x16xf32>,
      %swap3A_70 = vector.shape_cast %swap3A_69 : vector<1x16xf32> to vector<16xf32>
      %swap3A_71 = vector.shape_cast %broadcast_in_dim3A_66 : vector<16xf32> to vector<1x16xf32>
      tpu.vector_store %arg8[%swap3A_67, %swap3A_68], %swap3A_71 {strides = array<i32>} : memref<80x128xf32, #tpu.memory_space<vmem>>, vector<1x16xf32>,
      %broadcast_in_dim3A_72 = arith.constant 0.000000e+00 : f32
      %broadcast_in_dim3A_73 = vector.broadcast %broadcast_in_dim3A_72 : f32 to vector<16xf32>
      %swap3A_74 = arith.index_cast %scan3A_51 : i32 to index
      %swap3A_75 = arith.constant 48 : index
      %swap3A_76 = tpu.vector_load %arg8[%swap3A_74, %swap3A_75] {strides = array<i32>} : memref<80x128xf32, #tpu.memory_space<vmem>>, vector<1x16xf32>,
      %swap3A_77 = vector.shape_cast %swap3A_76 : vector<1x16xf32> to vector<16xf32>
      %swap3A_78 = vector.shape_cast %broadcast_in_dim3A_73 : vector<16xf32> to vector<1x16xf32>
      tpu.vector_store %arg8[%swap3A_74, %swap3A_75], %swap3A_78 {strides = array<i32>} : memref<80x128xf32, #tpu.memory_space<vmem>>, vector<1x16xf32>,
      %broadcast_in_dim3A_79 = arith.constant 0.000000e+00 : f32
      %broadcast_in_dim3A_80 = vector.broadcast %broadcast_in_dim3A_79 : f32 to vector<16xf32>
      %swap3A_81 = arith.index_cast %scan3A_51 : i32 to index
      %swap3A_82 = arith.constant 64 : index
      %swap3A_83 = tpu.vector_load %arg8[%swap3A_81, %swap3A_82] {strides = array<i32>} : memref<80x128xf32, #tpu.memory_space<vmem>>, vector<1x16xf32>,
      %swap3A_84 = vector.shape_cast %swap3A_83 : vector<1x16xf32> to vector<16xf32>
      %swap3A_85 = vector.shape_cast %broadcast_in_dim3A_80 : vector<16xf32> to vector<1x16xf32>
      tpu.vector_store %arg8[%swap3A_81, %swap3A_82], %swap3A_85 {strides = array<i32>} : memref<80x128xf32, #tpu.memory_space<vmem>>, vector<1x16xf32>,
      %broadcast_in_dim3A_86 = arith.constant 0.000000e+00 : f32
      %broadcast_in_dim3A_87 = vector.broadcast %broadcast_in_dim3A_86 : f32 to vector<16xf32>
      %swap3A_88 = arith.index_cast %scan3A_51 : i32 to index
      %swap3A_89 = arith.constant 80 : index
      %swap3A_90 = tpu.vector_load %arg8[%swap3A_88, %swap3A_89] {strides = array<i32>} : memref<80x128xf32, #tpu.memory_space<vmem>>, vector<1x16xf32>,
      %swap3A_91 = vector.shape_cast %swap3A_90 : vector<1x16xf32> to vector<16xf32>
      %swap3A_92 = vector.shape_cast %broadcast_in_dim3A_87 : vector<16xf32> to vector<1x16xf32>
      tpu.vector_store %arg8[%swap3A_88, %swap3A_89], %swap3A_92 {strides = array<i32>} : memref<80x128xf32, #tpu.memory_space<vmem>>, vector<1x16xf32>,
      %broadcast_in_dim3A_93 = arith.constant 0.000000e+00 : f32
      %broadcast_in_dim3A_94 = vector.broadcast %broadcast_in_dim3A_93 : f32 to vector<16xf32>
      %swap3A_95 = arith.index_cast %scan3A_51 : i32 to index
      %swap3A_96 = arith.constant 96 : index
      %swap3A_97 = tpu.vector_load %arg8[%swap3A_95, %swap3A_96] {strides = array<i32>} : memref<80x128xf32, #tpu.memory_space<vmem>>, vector<1x16xf32>,
      %swap3A_98 = vector.shape_cast %swap3A_97 : vector<1x16xf32> to vector<16xf32>
      %swap3A_99 = vector.shape_cast %broadcast_in_dim3A_94 : vector<16xf32> to vector<1x16xf32>
      tpu.vector_store %arg8[%swap3A_95, %swap3A_96], %swap3A_99 {strides = array<i32>} : memref<80x128xf32, #tpu.memory_space<vmem>>, vector<1x16xf32>,
      %broadcast_in_dim3A_100 = arith.constant 0.000000e+00 : f32
      %broadcast_in_dim3A_101 = vector.broadcast %broadcast_in_dim3A_100 : f32 to vector<16xf32>
      %swap3A_102 = arith.index_cast %scan3A_51 : i32 to index
      %swap3A_103 = arith.constant 112 : index
      %swap3A_104 = tpu.vector_load %arg8[%swap3A_102, %swap3A_103] {strides = array<i32>} : memref<80x128xf32, #tpu.memory_space<vmem>>, vector<1x16xf32>,
      %swap3A_105 = vector.shape_cast %swap3A_104 : vector<1x16xf32> to vector<16xf32>
      %swap3A_106 = vector.shape_cast %broadcast_in_dim3A_101 : vector<16xf32> to vector<1x16xf32>
      tpu.vector_store %arg8[%swap3A_102, %swap3A_103], %swap3A_106 {strides = array<i32>} : memref<80x128xf32, #tpu.memory_space<vmem>>, vector<1x16xf32>,
      %scan3A_107 = arith.constant 0 : i32
      scf.yield %scan3A_107 : i32
    }
    %scan3A_6 = arith.constant 80 : i32
    %mul3A_7 = arith.constant 624 : i32
    %mul3A_8 = arith.muli %arg1, %mul3A_7 : i32
    %add3A_9 = arith.constant 0 : i32
    %add3A_10 = arith.addi %mul3A_8, %add3A_9 : i32
    "tpu.region"() ({
      %run_scoped3A_51 = tpu.sem_alloc : memref<!tpu.dma_semaphore, #tpu.memory_space<semaphore_mem>>
      %dma_start3A_52 = arith.constant 0 : i32
      %dma_start3A_53 = tpu.memref_slice %arg10[%add3A_10, %dma_start3A_52] : memref<10000x128xf32, #tpu.memory_space<vmem_shared>> -> memref<80x128xf32, #tpu.memory_space<vmem_shared>>
      %dma_start3A_54 = arith.constant 0 : i32
      %dma_start3A_55 = tpu.memref_slice %arg10[%add3A_10, %dma_start3A_54] : memref<10000x128xf32, #tpu.memory_space<vmem_shared>> -> memref<80x128xf32, #tpu.memory_space<vmem_shared>>
      tpu.enqueue_dma source(%arg8 : memref<80x128xf32, #tpu.memory_space<vmem>>) target(%dma_start3A_55 : memref<80x128xf32, #tpu.memory_space<vmem_shared>>) target_semaphore(%run_scoped3A_51 : memref<!tpu.dma_semaphore, #tpu.memory_space<semaphore_mem>>)
      %dma_wait3A_56 = arith.constant 0 : i32
      %dma_wait3A_57 = tpu.memref_slice %arg10[%add3A_10, %dma_wait3A_56] : memref<10000x128xf32, #tpu.memory_space<vmem_shared>> -> memref<80x128xf32, #tpu.memory_space<vmem_shared>>
      %dma_wait3A_58 = arith.constant 0 : i32
      %dma_wait3A_59 = tpu.memref_slice %arg10[%add3A_10, %dma_wait3A_58] : memref<10000x128xf32, #tpu.memory_space<vmem_shared>> -> memref<80x128xf32, #tpu.memory_space<vmem_shared>>
      tpu.wait_dma2 semaphore(%run_scoped3A_51 : memref<!tpu.dma_semaphore, #tpu.memory_space<semaphore_mem>>) src(%arg8 : memref<80x128xf32, #tpu.memory_space<vmem>>) dst(%dma_wait3A_59 : memref<80x128xf32, #tpu.memory_space<vmem_shared>>)
      tpu.yield
    }) : () -> ()
    %add3A_11 = arith.constant 80 : i32
    %add3A_12 = arith.addi %mul3A_8, %add3A_11 : i32
    "tpu.region"() ({
      %run_scoped3A_51 = tpu.sem_alloc : memref<!tpu.dma_semaphore, #tpu.memory_space<semaphore_mem>>
      %dma_start3A_52 = arith.constant 0 : i32
      %dma_start3A_53 = tpu.memref_slice %arg10[%add3A_12, %dma_start3A_52] : memref<10000x128xf32, #tpu.memory_space<vmem_shared>> -> memref<80x128xf32, #tpu.memory_space<vmem_shared>>
      %dma_start3A_54 = arith.constant 0 : i32
      %dma_start3A_55 = tpu.memref_slice %arg10[%add3A_12, %dma_start3A_54] : memref<10000x128xf32, #tpu.memory_space<vmem_shared>> -> memref<80x128xf32, #tpu.memory_space<vmem_shared>>
      tpu.enqueue_dma source(%arg8 : memref<80x128xf32, #tpu.memory_space<vmem>>) target(%dma_start3A_55 : memref<80x128xf32, #tpu.memory_space<vmem_shared>>) target_semaphore(%run_scoped3A_51 : memref<!tpu.dma_semaphore, #tpu.memory_space<semaphore_mem>>)
      %dma_wait3A_56 = arith.constant 0 : i32
      %dma_wait3A_57 = tpu.memref_slice %arg10[%add3A_12, %dma_wait3A_56] : memref<10000x128xf32, #tpu.memory_space<vmem_shared>> -> memref<80x128xf32, #tpu.memory_space<vmem_shared>>
      %dma_wait3A_58 = arith.constant 0 : i32
      %dma_wait3A_59 = tpu.memref_slice %arg10[%add3A_12, %dma_wait3A_58] : memref<10000x128xf32, #tpu.memory_space<vmem_shared>> -> memref<80x128xf32, #tpu.memory_space<vmem_shared>>
      tpu.wait_dma2 semaphore(%run_scoped3A_51 : memref<!tpu.dma_semaphore, #tpu.memory_space<semaphore_mem>>) src(%arg8 : memref<80x128xf32, #tpu.memory_space<vmem>>) dst(%dma_wait3A_59 : memref<80x128xf32, #tpu.memory_space<vmem_shared>>)
      tpu.yield
    }) : () -> ()
    %add3A_13 = arith.constant 160 : i32
    %add3A_14 = arith.addi %mul3A_8, %add3A_13 : i32
    "tpu.region"() ({
      %run_scoped3A_51 = tpu.sem_alloc : memref<!tpu.dma_semaphore, #tpu.memory_space<semaphore_mem>>
      %dma_start3A_52 = arith.constant 0 : i32
      %dma_start3A_53 = tpu.memref_slice %arg10[%add3A_14, %dma_start3A_52] : memref<10000x128xf32, #tpu.memory_space<vmem_shared>> -> memref<80x128xf32, #tpu.memory_space<vmem_shared>>
      %dma_start3A_54 = arith.constant 0 : i32
      %dma_start3A_55 = tpu.memref_slice %arg10[%add3A_14, %dma_start3A_54] : memref<10000x128xf32, #tpu.memory_space<vmem_shared>> -> memref<80x128xf32, #tpu.memory_space<vmem_shared>>
      tpu.enqueue_dma source(%arg8 : memref<80x128xf32, #tpu.memory_space<vmem>>) target(%dma_start3A_55 : memref<80x128xf32, #tpu.memory_space<vmem_shared>>) target_semaphore(%run_scoped3A_51 : memref<!tpu.dma_semaphore, #tpu.memory_space<semaphore_mem>>)
      %dma_wait3A_56 = arith.constant 0 : i32
      %dma_wait3A_57 = tpu.memref_slice %arg10[%add3A_14, %dma_wait3A_56] : memref<10000x128xf32, #tpu.memory_space<vmem_shared>> -> memref<80x128xf32, #tpu.memory_space<vmem_shared>>
      %dma_wait3A_58 = arith.constant 0 : i32
      %dma_wait3A_59 = tpu.memref_slice %arg10[%add3A_14, %dma_wait3A_58] : memref<10000x128xf32, #tpu.memory_space<vmem_shared>> -> memref<80x128xf32, #tpu.memory_space<vmem_shared>>
      tpu.wait_dma2 semaphore(%run_scoped3A_51 : memref<!tpu.dma_semaphore, #tpu.memory_space<semaphore_mem>>) src(%arg8 : memref<80x128xf32, #tpu.memory_space<vmem>>) dst(%dma_wait3A_59 : memref<80x128xf32, #tpu.memory_space<vmem_shared>>)
      tpu.yield
    }) : () -> ()
    %add3A_15 = arith.constant 240 : i32
    %add3A_16 = arith.addi %mul3A_8, %add3A_15 : i32
    "tpu.region"() ({
      %run_scoped3A_51 = tpu.sem_alloc : memref<!tpu.dma_semaphore, #tpu.memory_space<semaphore_mem>>
      %dma_start3A_52 = arith.constant 0 : i32
      %dma_start3A_53 = tpu.memref_slice %arg10[%add3A_16, %dma_start3A_52] : memref<10000x128xf32, #tpu.memory_space<vmem_shared>> -> memref<80x128xf32, #tpu.memory_space<vmem_shared>>
      %dma_start3A_54 = arith.constant 0 : i32
      %dma_start3A_55 = tpu.memref_slice %arg10[%add3A_16, %dma_start3A_54] : memref<10000x128xf32, #tpu.memory_space<vmem_shared>> -> memref<80x128xf32, #tpu.memory_space<vmem_shared>>
      tpu.enqueue_dma source(%arg8 : memref<80x128xf32, #tpu.memory_space<vmem>>) target(%dma_start3A_55 : memref<80x128xf32, #tpu.memory_space<vmem_shared>>) target_semaphore(%run_scoped3A_51 : memref<!tpu.dma_semaphore, #tpu.memory_space<semaphore_mem>>)
      %dma_wait3A_56 = arith.constant 0 : i32
      %dma_wait3A_57 = tpu.memref_slice %arg10[%add3A_16, %dma_wait3A_56] : memref<10000x128xf32, #tpu.memory_space<vmem_shared>> -> memref<80x128xf32, #tpu.memory_space<vmem_shared>>
      %dma_wait3A_58 = arith.constant 0 : i32
      %dma_wait3A_59 = tpu.memref_slice %arg10[%add3A_16, %dma_wait3A_58] : memref<10000x128xf32, #tpu.memory_space<vmem_shared>> -> memref<80x128xf32, #tpu.memory_space<vmem_shared>>
      tpu.wait_dma2 semaphore(%run_scoped3A_51 : memref<!tpu.dma_semaphore, #tpu.memory_space<semaphore_mem>>) src(%arg8 : memref<80x128xf32, #tpu.memory_space<vmem>>) dst(%dma_wait3A_59 : memref<80x128xf32, #tpu.memory_space<vmem_shared>>)
      tpu.yield
    }) : () -> ()
    %add3A_17 = arith.constant 320 : i32
    %add3A_18 = arith.addi %mul3A_8, %add3A_17 : i32
    "tpu.region"() ({
      %run_scoped3A_51 = tpu.sem_alloc : memref<!tpu.dma_semaphore, #tpu.memory_space<semaphore_mem>>
      %dma_start3A_52 = arith.constant 0 : i32
      %dma_start3A_53 = tpu.memref_slice %arg10[%add3A_18, %dma_start3A_52] : memref<10000x128xf32, #tpu.memory_space<vmem_shared>> -> memref<80x128xf32, #tpu.memory_space<vmem_shared>>
      %dma_start3A_54 = arith.constant 0 : i32
      %dma_start3A_55 = tpu.memref_slice %arg10[%add3A_18, %dma_start3A_54] : memref<10000x128xf32, #tpu.memory_space<vmem_shared>> -> memref<80x128xf32, #tpu.memory_space<vmem_shared>>
      tpu.enqueue_dma source(%arg8 : memref<80x128xf32, #tpu.memory_space<vmem>>) target(%dma_start3A_55 : memref<80x128xf32, #tpu.memory_space<vmem_shared>>) target_semaphore(%run_scoped3A_51 : memref<!tpu.dma_semaphore, #tpu.memory_space<semaphore_mem>>)
      %dma_wait3A_56 = arith.constant 0 : i32
      %dma_wait3A_57 = tpu.memref_slice %arg10[%add3A_18, %dma_wait3A_56] : memref<10000x128xf32, #tpu.memory_space<vmem_shared>> -> memref<80x128xf32, #tpu.memory_space<vmem_shared>>
      %dma_wait3A_58 = arith.constant 0 : i32
      %dma_wait3A_59 = tpu.memref_slice %arg10[%add3A_18, %dma_wait3A_58] : memref<10000x128xf32, #tpu.memory_space<vmem_shared>> -> memref<80x128xf32, #tpu.memory_space<vmem_shared>>
      tpu.wait_dma2 semaphore(%run_scoped3A_51 : memref<!tpu.dma_semaphore, #tpu.memory_space<semaphore_mem>>) src(%arg8 : memref<80x128xf32, #tpu.memory_space<vmem>>) dst(%dma_wait3A_59 : memref<80x128xf32, #tpu.memory_space<vmem_shared>>)
      tpu.yield
    }) : () -> ()
    %add3A_19 = arith.constant 400 : i32
    %add3A_20 = arith.addi %mul3A_8, %add3A_19 : i32
    "tpu.region"() ({
      %run_scoped3A_51 = tpu.sem_alloc : memref<!tpu.dma_semaphore, #tpu.memory_space<semaphore_mem>>
      %dma_start3A_52 = arith.constant 0 : i32
      %dma_start3A_53 = tpu.memref_slice %arg10[%add3A_20, %dma_start3A_52] : memref<10000x128xf32, #tpu.memory_space<vmem_shared>> -> memref<80x128xf32, #tpu.memory_space<vmem_shared>>
      %dma_start3A_54 = arith.constant 0 : i32
      %dma_start3A_55 = tpu.memref_slice %arg10[%add3A_20, %dma_start3A_54] : memref<10000x128xf32, #tpu.memory_space<vmem_shared>> -> memref<80x128xf32, #tpu.memory_space<vmem_shared>>
      tpu.enqueue_dma source(%arg8 : memref<80x128xf32, #tpu.memory_space<vmem>>) target(%dma_start3A_55 : memref<80x128xf32, #tpu.memory_space<vmem_shared>>) target_semaphore(%run_scoped3A_51 : memref<!tpu.dma_semaphore, #tpu.memory_space<semaphore_mem>>)
      %dma_wait3A_56 = arith.constant 0 : i32
      %dma_wait3A_57 = tpu.memref_slice %arg10[%add3A_20, %dma_wait3A_56] : memref<10000x128xf32, #tpu.memory_space<vmem_shared>> -> memref<80x128xf32, #tpu.memory_space<vmem_shared>>
      %dma_wait3A_58 = arith.constant 0 : i32
      %dma_wait3A_59 = tpu.memref_slice %arg10[%add3A_20, %dma_wait3A_58] : memref<10000x128xf32, #tpu.memory_space<vmem_shared>> -> memref<80x128xf32, #tpu.memory_space<vmem_shared>>
      tpu.wait_dma2 semaphore(%run_scoped3A_51 : memref<!tpu.dma_semaphore, #tpu.memory_space<semaphore_mem>>) src(%arg8 : memref<80x128xf32, #tpu.memory_space<vmem>>) dst(%dma_wait3A_59 : memref<80x128xf32, #tpu.memory_space<vmem_shared>>)
      tpu.yield
    }) : () -> ()
    %add3A_21 = arith.constant 480 : i32
    %add3A_22 = arith.addi %mul3A_8, %add3A_21 : i32
    "tpu.region"() ({
      %run_scoped3A_51 = tpu.sem_alloc : memref<!tpu.dma_semaphore, #tpu.memory_space<semaphore_mem>>
      %dma_start3A_52 = arith.constant 0 : i32
      %dma_start3A_53 = tpu.memref_slice %arg10[%add3A_22, %dma_start3A_52] : memref<10000x128xf32, #tpu.memory_space<vmem_shared>> -> memref<80x128xf32, #tpu.memory_space<vmem_shared>>
      %dma_start3A_54 = arith.constant 0 : i32
      %dma_start3A_55 = tpu.memref_slice %arg10[%add3A_22, %dma_start3A_54] : memref<10000x128xf32, #tpu.memory_space<vmem_shared>> -> memref<80x128xf32, #tpu.memory_space<vmem_shared>>
      tpu.enqueue_dma source(%arg8 : memref<80x128xf32, #tpu.memory_space<vmem>>) target(%dma_start3A_55 : memref<80x128xf32, #tpu.memory_space<vmem_shared>>) target_semaphore(%run_scoped3A_51 : memref<!tpu.dma_semaphore, #tpu.memory_space<semaphore_mem>>)
      %dma_wait3A_56 = arith.constant 0 : i32
      %dma_wait3A_57 = tpu.memref_slice %arg10[%add3A_22, %dma_wait3A_56] : memref<10000x128xf32, #tpu.memory_space<vmem_shared>> -> memref<80x128xf32, #tpu.memory_space<vmem_shared>>
      %dma_wait3A_58 = arith.constant 0 : i32
      %dma_wait3A_59 = tpu.memref_slice %arg10[%add3A_22, %dma_wait3A_58] : memref<10000x128xf32, #tpu.memory_space<vmem_shared>> -> memref<80x128xf32, #tpu.memory_space<vmem_shared>>
      tpu.wait_dma2 semaphore(%run_scoped3A_51 : memref<!tpu.dma_semaphore, #tpu.memory_space<semaphore_mem>>) src(%arg8 : memref<80x128xf32, #tpu.memory_space<vmem>>) dst(%dma_wait3A_59 : memref<80x128xf32, #tpu.memory_space<vmem_shared>>)
      tpu.yield
    }) : () -> ()
    %add3A_23 = arith.constant 560 : i32
    %add3A_24 = arith.addi %mul3A_8, %add3A_23 : i32
    "tpu.region"() ({
      %run_scoped3A_51 = tpu.sem_alloc : memref<!tpu.dma_semaphore, #tpu.memory_space<semaphore_mem>>
      %dma_start3A_52 = arith.constant 0 : i32
      %dma_start3A_53 = arith.constant 0 : i32
      %dma_start3A_54 = tpu.memref_slice %arg8[%dma_start3A_52, %dma_start3A_53] : memref<80x128xf32, #tpu.memory_space<vmem>> -> memref<64x128xf32, #tpu.memory_space<vmem>>
      %dma_start3A_55 = arith.constant 0 : i32
      %dma_start3A_56 = tpu.memref_slice %arg10[%add3A_24, %dma_start3A_55] : memref<10000x128xf32, #tpu.memory_space<vmem_shared>> -> memref<64x128xf32, #tpu.memory_space<vmem_shared>>
      %dma_start3A_57 = arith.constant 0 : i32
      %dma_start3A_58 = tpu.memref_slice %arg10[%add3A_24, %dma_start3A_57] : memref<10000x128xf32, #tpu.memory_space<vmem_shared>> -> memref<64x128xf32, #tpu.memory_space<vmem_shared>>
      %dma_start3A_59 = arith.constant 0 : i32
      %dma_start3A_60 = arith.constant 0 : i32
      %dma_start3A_61 = tpu.memref_slice %arg8[%dma_start3A_59, %dma_start3A_60] : memref<80x128xf32, #tpu.memory_space<vmem>> -> memref<64x128xf32, #tpu.memory_space<vmem>>
      tpu.enqueue_dma source(%dma_start3A_61 : memref<64x128xf32, #tpu.memory_space<vmem>>) target(%dma_start3A_58 : memref<64x128xf32, #tpu.memory_space<vmem_shared>>) target_semaphore(%run_scoped3A_51 : memref<!tpu.dma_semaphore, #tpu.memory_space<semaphore_mem>>)
      %dma_wait3A_62 = arith.constant 0 : i32
      %dma_wait3A_63 = arith.constant 0 : i32
      %dma_wait3A_64 = tpu.memref_slice %arg8[%dma_wait3A_62, %dma_wait3A_63] : memref<80x128xf32, #tpu.memory_space<vmem>> -> memref<64x128xf32, #tpu.memory_space<vmem>>
      %dma_wait3A_65 = arith.constant 0 : i32
      %dma_wait3A_66 = tpu.memref_slice %arg10[%add3A_24, %dma_wait3A_65] : memref<10000x128xf32, #tpu.memory_space<vmem_shared>> -> memref<64x128xf32, #tpu.memory_space<vmem_shared>>
      %dma_wait3A_67 = arith.constant 0 : i32
      %dma_wait3A_68 = tpu.memref_slice %arg10[%add3A_24, %dma_wait3A_67] : memref<10000x128xf32, #tpu.memory_space<vmem_shared>> -> memref<64x128xf32, #tpu.memory_space<vmem_shared>>
      %dma_wait3A_69 = arith.constant 0 : i32
      %dma_wait3A_70 = arith.constant 0 : i32
      %dma_wait3A_71 = tpu.memref_slice %arg8[%dma_wait3A_69, %dma_wait3A_70] : memref<80x128xf32, #tpu.memory_space<vmem>> -> memref<64x128xf32, #tpu.memory_space<vmem>>
      tpu.wait_dma2 semaphore(%run_scoped3A_51 : memref<!tpu.dma_semaphore, #tpu.memory_space<semaphore_mem>>) src(%dma_wait3A_71 : memref<64x128xf32, #tpu.memory_space<vmem>>) dst(%dma_wait3A_68 : memref<64x128xf32, #tpu.memory_space<vmem_shared>>)
      tpu.yield
    }) : () -> ()
    %eq3A = arith.constant 15 : i32
    %eq3A_25 = arith.cmpi eq, %arg1, %eq3A : i32
    %convert_element_type3A = arith.extui %eq3A_25 : i1 to i32
    %cond3A = arith.constant 0 : i32
    %cond3A_26 = arith.cmpi ne, %convert_element_type3A, %cond3A : i32
    scf.if %cond3A_26 {
      "tpu.region"() ({
        %run_scoped3A_51 = tpu.sem_alloc : memref<!tpu.dma_semaphore, #tpu.memory_space<semaphore_mem>>
        %dma_start3A_52 = arith.constant 0 : i32
        %dma_start3A_53 = arith.constant 0 : i32
        %dma_start3A_54 = tpu.memref_slice %arg8[%dma_start3A_52, %dma_start3A_53] : memref<80x128xf32, #tpu.memory_space<vmem>> -> memref<16x128xf32, #tpu.memory_space<vmem>>
        %dma_start3A_55 = arith.constant 9984 : i32
        %dma_start3A_56 = arith.constant 0 : i32
        %dma_start3A_57 = tpu.memref_slice %arg10[%dma_start3A_55, %dma_start3A_56] : memref<10000x128xf32, #tpu.memory_space<vmem_shared>> -> memref<16x128xf32, #tpu.memory_space<vmem_shared>>
        %dma_start3A_58 = arith.constant 9984 : i32
        %dma_start3A_59 = arith.constant 0 : i32
        %dma_start3A_60 = tpu.memref_slice %arg10[%dma_start3A_58, %dma_start3A_59] : memref<10000x128xf32, #tpu.memory_space<vmem_shared>> -> memref<16x128xf32, #tpu.memory_space<vmem_shared>>
        %dma_start3A_61 = arith.constant 0 : i32
        %dma_start3A_62 = arith.constant 0 : i32
        %dma_start3A_63 = tpu.memref_slice %arg8[%dma_start3A_61, %dma_start3A_62] : memref<80x128xf32, #tpu.memory_space<vmem>> -> memref<16x128xf32, #tpu.memory_space<vmem>>
        tpu.enqueue_dma source(%dma_start3A_63 : memref<16x128xf32, #tpu.memory_space<vmem>>) target(%dma_start3A_60 : memref<16x128xf32, #tpu.memory_space<vmem_shared>>) target_semaphore(%run_scoped3A_51 : memref<!tpu.dma_semaphore, #tpu.memory_space<semaphore_mem>>)
        %dma_wait3A_64 = arith.constant 0 : i32
        %dma_wait3A_65 = arith.constant 0 : i32
        %dma_wait3A_66 = tpu.memref_slice %arg8[%dma_wait3A_64, %dma_wait3A_65] : memref<80x128xf32, #tpu.memory_space<vmem>> -> memref<16x128xf32, #tpu.memory_space<vmem>>
        %dma_wait3A_67 = arith.constant 9984 : i32
        %dma_wait3A_68 = arith.constant 0 : i32
        %dma_wait3A_69 = tpu.memref_slice %arg10[%dma_wait3A_67, %dma_wait3A_68] : memref<10000x128xf32, #tpu.memory_space<vmem_shared>> -> memref<16x128xf32, #tpu.memory_space<vmem_shared>>
        %dma_wait3A_70 = arith.constant 9984 : i32
        %dma_wait3A_71 = arith.constant 0 : i32
        %dma_wait3A_72 = tpu.memref_slice %arg10[%dma_wait3A_70, %dma_wait3A_71] : memref<10000x128xf32, #tpu.memory_space<vmem_shared>> -> memref<16x128xf32, #tpu.memory_space<vmem_shared>>
        %dma_wait3A_73 = arith.constant 0 : i32
        %dma_wait3A_74 = arith.constant 0 : i32
        %dma_wait3A_75 = tpu.memref_slice %arg8[%dma_wait3A_73, %dma_wait3A_74] : memref<80x128xf32, #tpu.memory_space<vmem>> -> memref<16x128xf32, #tpu.memory_space<vmem>>
        tpu.wait_dma2 semaphore(%run_scoped3A_51 : memref<!tpu.dma_semaphore, #tpu.memory_space<semaphore_mem>>) src(%dma_wait3A_75 : memref<16x128xf32, #tpu.memory_space<vmem>>) dst(%dma_wait3A_72 : memref<16x128xf32, #tpu.memory_space<vmem_shared>>)
        tpu.yield
      }) : () -> ()
    } else {
    }
    %barrier3A = arith.constant 0 : index
    tpu.barrier barrier_id(%barrier3A)
    %dma_start3A = arith.constant 0 : i32
    %dma_start3A_27 = tpu.memref_slice %arg6[%dma_start3A] : memref<10000xi32, #tpu.memory_space<vmem>> -> memref<80xi32, #tpu.memory_space<vmem>>
    %dma_start3A_28 = arith.constant 0 : i32
    %dma_start3A_29 = arith.constant 0 : i32
    %dma_start3A_30 = tpu.memref_slice %arg4[%dma_start3A_28, %dma_start3A_29] : memref<320000x128xf32, #tpu.memory_space<hbm>> -> memref<320000x128xf32, #tpu.memory_space<hbm>>
    tpu.enqueue_indirect_dma source(%dma_start3A_30 : memref<320000x128xf32, #tpu.memory_space<hbm>>) target(%arg8 : memref<80x128xf32, #tpu.memory_space<vmem>>) offsets(%dma_start3A_27 : memref<80xi32, #tpu.memory_space<vmem>>) semaphore(%arg11 : memref<!tpu.dma_semaphore, #tpu.memory_space<semaphore_mem>>)
    %scan3A_31 = arith.constant 0 : i32
    %scan3A_32 = arith.constant 0 : i32
    %scan3A_33 = arith.constant 62 : i32
    %scan3A_34 = arith.addi %scan3A_32, %scan3A_33 : i32
    %scan3A_35 = arith.constant 1 : i32
    %scan3A_36 = scf.for %scan3A_51 = %scan3A_32 to %scan3A_34 step %scan3A_35 iter_args(%scan3A_52 = %scan3A_31) -> (i32)  : i32 {
      %mul3A_53 = arith.constant 2 : i32
      %mul3A_54 = arith.muli %mul3A_53, %scan3A_51 : i32
      %add3A_55 = arith.constant 1 : i32
      %add3A_56 = arith.addi %mul3A_54, %add3A_55 : i32
      %mul3A_57 = arith.constant 80 : i32
      %mul3A_58 = arith.muli %add3A_56, %mul3A_57 : i32
      %dma_start3A_59 = tpu.memref_slice %arg6[%mul3A_58] : memref<10000xi32, #tpu.memory_space<vmem>> -> memref<80xi32, #tpu.memory_space<vmem>>
      %dma_start3A_60 = arith.constant 0 : i32
      %dma_start3A_61 = arith.constant 0 : i32
      %dma_start3A_62 = tpu.memref_slice %arg4[%dma_start3A_60, %dma_start3A_61] : memref<320000x128xf32, #tpu.memory_space<hbm>> -> memref<320000x128xf32, #tpu.memory_space<hbm>>
      tpu.enqueue_indirect_dma source(%dma_start3A_62 : memref<320000x128xf32, #tpu.memory_space<hbm>>) target(%arg9 : memref<80x128xf32, #tpu.memory_space<vmem>>) offsets(%dma_start3A_59 : memref<80xi32, #tpu.memory_space<vmem>>) semaphore(%arg12 : memref<!tpu.dma_semaphore, #tpu.memory_space<semaphore_mem>>)
      %mul3A_63 = arith.constant 2 : i32
      %mul3A_64 = arith.muli %mul3A_63, %scan3A_51 : i32
      %mul3A_65 = arith.constant 80 : i32
      %mul3A_66 = arith.muli %mul3A_64, %mul3A_65 : i32
      %dma_wait3A_67 = tpu.memref_slice %arg6[%mul3A_66] : memref<10000xi32, #tpu.memory_space<vmem>> -> memref<80xi32, #tpu.memory_space<vmem>>
      %dma_wait3A_68 = arith.constant 0 : i32
      %dma_wait3A_69 = arith.constant 0 : i32
      %dma_wait3A_70 = tpu.memref_slice %arg4[%dma_wait3A_68, %dma_wait3A_69] : memref<320000x128xf32, #tpu.memory_space<hbm>> -> memref<320000x128xf32, #tpu.memory_space<hbm>>
      tpu.wait_indirect_dma semaphore(%arg11 : memref<!tpu.dma_semaphore, #tpu.memory_space<semaphore_mem>>) src(%dma_wait3A_70 : memref<320000x128xf32, #tpu.memory_space<hbm>>) dst(%arg8 : memref<80x128xf32, #tpu.memory_space<vmem>>)
      "tpu.region"() ({
        %run_scoped3A_92 = tpu.sem_alloc : memref<!tpu.dma_semaphore, #tpu.memory_space<semaphore_mem>>
        %dma_start3A_93 = arith.constant 0 : i32
        %dma_start3A_94 = tpu.memref_slice %arg7[%mul3A_64, %dma_start3A_93] : memref<125x80xi32, #tpu.memory_space<vmem>> -> memref<1x80xi32, #tpu.memory_space<vmem>>
        %dma_start3A_95 = tpu.memref_squeeze %dma_start3A_94 : memref<1x80xi32, #tpu.memory_space<vmem>> -> memref<80xi32, #tpu.memory_space<vmem>>
        %dma_start3A_96 = arith.constant 0 : i32
        %dma_start3A_97 = arith.constant 0 : i32
        %dma_start3A_98 = tpu.memref_slice %arg10[%dma_start3A_96, %dma_start3A_97] : memref<10000x128xf32, #tpu.memory_space<vmem_shared>> -> memref<10000x128xf32, #tpu.memory_space<vmem_shared>>
        tpu.enqueue_indirect_dma source(%arg8 : memref<80x128xf32, #tpu.memory_space<vmem>>) target(%dma_start3A_98 : memref<10000x128xf32, #tpu.memory_space<vmem_shared>>) offsets(%dma_start3A_95 : memref<80xi32, #tpu.memory_space<vmem>>) semaphore(%run_scoped3A_92 : memref<!tpu.dma_semaphore, #tpu.memory_space<semaphore_mem>>) {add = true}
        %dma_wait3A_99 = arith.constant 0 : i32
        %dma_wait3A_100 = tpu.memref_slice %arg7[%mul3A_64, %dma_wait3A_99] : memref<125x80xi32, #tpu.memory_space<vmem>> -> memref<1x80xi32, #tpu.memory_space<vmem>>
        %dma_wait3A_101 = tpu.memref_squeeze %dma_wait3A_100 : memref<1x80xi32, #tpu.memory_space<vmem>> -> memref<80xi32, #tpu.memory_space<vmem>>
        %dma_wait3A_102 = arith.constant 0 : i32
        %dma_wait3A_103 = arith.constant 0 : i32
        %dma_wait3A_104 = tpu.memref_slice %arg10[%dma_wait3A_102, %dma_wait3A_103] : memref<10000x128xf32, #tpu.memory_space<vmem_shared>> -> memref<10000x128xf32, #tpu.memory_space<vmem_shared>>
        tpu.wait_indirect_dma semaphore(%run_scoped3A_92 : memref<!tpu.dma_semaphore, #tpu.memory_space<semaphore_mem>>) src(%arg8 : memref<80x128xf32, #tpu.memory_space<vmem>>) dst(%dma_wait3A_104 : memref<10000x128xf32, #tpu.memory_space<vmem_shared>>)
        tpu.yield
      }) : () -> ()
      %mul3A_71 = arith.constant 2 : i32
      %mul3A_72 = arith.muli %mul3A_71, %scan3A_51 : i32
      %add3A_73 = arith.constant 2 : i32
      %add3A_74 = arith.addi %mul3A_72, %add3A_73 : i32
      %mul3A_75 = arith.constant 80 : i32
      %mul3A_76 = arith.muli %add3A_74, %mul3A_75 : i32
      %dma_start3A_77 = tpu.memref_slice %arg6[%mul3A_76] : memref<10000xi32, #tpu.memory_space<vmem>> -> memref<80xi32, #tpu.memory_space<vmem>>
      %dma_start3A_78 = arith.constant 0 : i32
      %dma_start3A_79 = arith.constant 0 : i32
      %dma_start3A_80 = tpu.memref_slice %arg4[%dma_start3A_78, %dma_start3A_79] : memref<320000x128xf32, #tpu.memory_space<hbm>> -> memref<320000x128xf32, #tpu.memory_space<hbm>>
      tpu.enqueue_indirect_dma source(%dma_start3A_80 : memref<320000x128xf32, #tpu.memory_space<hbm>>) target(%arg8 : memref<80x128xf32, #tpu.memory_space<vmem>>) offsets(%dma_start3A_77 : memref<80xi32, #tpu.memory_space<vmem>>) semaphore(%arg11 : memref<!tpu.dma_semaphore, #tpu.memory_space<semaphore_mem>>)
      %mul3A_81 = arith.constant 2 : i32
      %mul3A_82 = arith.muli %mul3A_81, %scan3A_51 : i32
      %add3A_83 = arith.constant 1 : i32
      %add3A_84 = arith.addi %mul3A_82, %add3A_83 : i32
      %mul3A_85 = arith.constant 80 : i32
      %mul3A_86 = arith.muli %add3A_84, %mul3A_85 : i32
      %dma_wait3A_87 = tpu.memref_slice %arg6[%mul3A_86] : memref<10000xi32, #tpu.memory_space<vmem>> -> memref<80xi32, #tpu.memory_space<vmem>>
      %dma_wait3A_88 = arith.constant 0 : i32
      %dma_wait3A_89 = arith.constant 0 : i32
      %dma_wait3A_90 = tpu.memref_slice %arg4[%dma_wait3A_88, %dma_wait3A_89] : memref<320000x128xf32, #tpu.memory_space<hbm>> -> memref<320000x128xf32, #tpu.memory_space<hbm>>
      tpu.wait_indirect_dma semaphore(%arg12 : memref<!tpu.dma_semaphore, #tpu.memory_space<semaphore_mem>>) src(%dma_wait3A_90 : memref<320000x128xf32, #tpu.memory_space<hbm>>) dst(%arg9 : memref<80x128xf32, #tpu.memory_space<vmem>>)
      "tpu.region"() ({
        %run_scoped3A_92 = tpu.sem_alloc : memref<!tpu.dma_semaphore, #tpu.memory_space<semaphore_mem>>
        %dma_start3A_93 = arith.constant 0 : i32
        %dma_start3A_94 = tpu.memref_slice %arg7[%add3A_84, %dma_start3A_93] : memref<125x80xi32, #tpu.memory_space<vmem>> -> memref<1x80xi32, #tpu.memory_space<vmem>>
        %dma_start3A_95 = tpu.memref_squeeze %dma_start3A_94 : memref<1x80xi32, #tpu.memory_space<vmem>> -> memref<80xi32, #tpu.memory_space<vmem>>
        %dma_start3A_96 = arith.constant 0 : i32
        %dma_start3A_97 = arith.constant 0 : i32
        %dma_start3A_98 = tpu.memref_slice %arg10[%dma_start3A_96, %dma_start3A_97] : memref<10000x128xf32, #tpu.memory_space<vmem_shared>> -> memref<10000x128xf32, #tpu.memory_space<vmem_shared>>
        tpu.enqueue_indirect_dma source(%arg9 : memref<80x128xf32, #tpu.memory_space<vmem>>) target(%dma_start3A_98 : memref<10000x128xf32, #tpu.memory_space<vmem_shared>>) offsets(%dma_start3A_95 : memref<80xi32, #tpu.memory_space<vmem>>) semaphore(%run_scoped3A_92 : memref<!tpu.dma_semaphore, #tpu.memory_space<semaphore_mem>>) {add = true}
        %dma_wait3A_99 = arith.constant 0 : i32
        %dma_wait3A_100 = tpu.memref_slice %arg7[%add3A_84, %dma_wait3A_99] : memref<125x80xi32, #tpu.memory_space<vmem>> -> memref<1x80xi32, #tpu.memory_space<vmem>>
        %dma_wait3A_101 = tpu.memref_squeeze %dma_wait3A_100 : memref<1x80xi32, #tpu.memory_space<vmem>> -> memref<80xi32, #tpu.memory_space<vmem>>
        %dma_wait3A_102 = arith.constant 0 : i32
        %dma_wait3A_103 = arith.constant 0 : i32
        %dma_wait3A_104 = tpu.memref_slice %arg10[%dma_wait3A_102, %dma_wait3A_103] : memref<10000x128xf32, #tpu.memory_space<vmem_shared>> -> memref<10000x128xf32, #tpu.memory_space<vmem_shared>>
        tpu.wait_indirect_dma semaphore(%run_scoped3A_92 : memref<!tpu.dma_semaphore, #tpu.memory_space<semaphore_mem>>) src(%arg9 : memref<80x128xf32, #tpu.memory_space<vmem>>) dst(%dma_wait3A_104 : memref<10000x128xf32, #tpu.memory_space<vmem_shared>>)
        tpu.yield
      }) : () -> ()
      %scan3A_91 = arith.constant 0 : i32
      scf.yield %scan3A_91 : i32
    }
    %scan3A_37 = arith.constant 62 : i32
    %dma_wait3A = arith.constant 9920 : i32
    %dma_wait3A_38 = tpu.memref_slice %arg6[%dma_wait3A] : memref<10000xi32, #tpu.memory_space<vmem>> -> memref<80xi32, #tpu.memory_space<vmem>>
    %dma_wait3A_39 = arith.constant 0 : i32
    %dma_wait3A_40 = arith.constant 0 : i32
    %dma_wait3A_41 = tpu.memref_slice %arg4[%dma_wait3A_39, %dma_wait3A_40] : memref<320000x128xf32, #tpu.memory_space<hbm>> -> memref<320000x128xf32, #tpu.memory_space<hbm>>
    tpu.wait_indirect_dma semaphore(%arg11 : memref<!tpu.dma_semaphore, #tpu.memory_space<semaphore_mem>>) src(%dma_wait3A_41 : memref<320000x128xf32, #tpu.memory_space<hbm>>) dst(%arg8 : memref<80x128xf32, #tpu.memory_space<vmem>>)
    %run_scoped3A = arith.constant 124 : i32
    "tpu.region"() ({
      %run_scoped3A_51 = tpu.sem_alloc : memref<!tpu.dma_semaphore, #tpu.memory_space<semaphore_mem>>
      %dma_start3A_52 = arith.constant 0 : i32
      %dma_start3A_53 = tpu.memref_slice %arg7[%run_scoped3A, %dma_start3A_52] : memref<125x80xi32, #tpu.memory_space<vmem>> -> memref<1x80xi32, #tpu.memory_space<vmem>>
      %dma_start3A_54 = tpu.memref_squeeze %dma_start3A_53 : memref<1x80xi32, #tpu.memory_space<vmem>> -> memref<80xi32, #tpu.memory_space<vmem>>
      %dma_start3A_55 = arith.constant 0 : i32
      %dma_start3A_56 = arith.constant 0 : i32
      %dma_start3A_57 = tpu.memref_slice %arg10[%dma_start3A_55, %dma_start3A_56] : memref<10000x128xf32, #tpu.memory_space<vmem_shared>> -> memref<10000x128xf32, #tpu.memory_space<vmem_shared>>
      tpu.enqueue_indirect_dma source(%arg8 : memref<80x128xf32, #tpu.memory_space<vmem>>) target(%dma_start3A_57 : memref<10000x128xf32, #tpu.memory_space<vmem_shared>>) offsets(%dma_start3A_54 : memref<80xi32, #tpu.memory_space<vmem>>) semaphore(%run_scoped3A_51 : memref<!tpu.dma_semaphore, #tpu.memory_space<semaphore_mem>>) {add = true}
      %dma_wait3A_58 = arith.constant 0 : i32
      %dma_wait3A_59 = tpu.memref_slice %arg7[%run_scoped3A, %dma_wait3A_58] : memref<125x80xi32, #tpu.memory_space<vmem>> -> memref<1x80xi32, #tpu.memory_space<vmem>>
      %dma_wait3A_60 = tpu.memref_squeeze %dma_wait3A_59 : memref<1x80xi32, #tpu.memory_space<vmem>> -> memref<80xi32, #tpu.memory_space<vmem>>
      %dma_wait3A_61 = arith.constant 0 : i32
      %dma_wait3A_62 = arith.constant 0 : i32
      %dma_wait3A_63 = tpu.memref_slice %arg10[%dma_wait3A_61, %dma_wait3A_62] : memref<10000x128xf32, #tpu.memory_space<vmem_shared>> -> memref<10000x128xf32, #tpu.memory_space<vmem_shared>>
      tpu.wait_indirect_dma semaphore(%run_scoped3A_51 : memref<!tpu.dma_semaphore, #tpu.memory_space<semaphore_mem>>) src(%arg8 : memref<80x128xf32, #tpu.memory_space<vmem>>) dst(%dma_wait3A_63 : memref<10000x128xf32, #tpu.memory_space<vmem_shared>>)
      tpu.yield
    }) : () -> ()
    %barrier3A_42 = arith.constant 0 : index
    tpu.barrier barrier_id(%barrier3A_42)
    %mul3A_43 = arith.constant 10000 : i32
    %mul3A_44 = arith.muli %arg0, %mul3A_43 : i32
    %add3A_45 = arith.addi %mul3A_44, %mul3A_8 : i32
    "tpu.region"() ({
      %run_scoped3A_51 = tpu.sem_alloc : memref<!tpu.dma_semaphore, #tpu.memory_space<semaphore_mem>>
      %dma_start3A_52 = arith.constant 0 : i32
      %dma_start3A_53 = tpu.memref_slice %arg5[%add3A_45, %dma_start3A_52] : memref<20000x128xf32, #tpu.memory_space<hbm>> -> memref<624x128xf32, #tpu.memory_space<hbm>>
      %dma_start3A_54 = arith.constant 0 : i32
      %dma_start3A_55 = tpu.memref_slice %arg10[%mul3A_8, %dma_start3A_54] : memref<10000x128xf32, #tpu.memory_space<vmem_shared>> -> memref<624x128xf32, #tpu.memory_space<vmem_shared>>
      tpu.enqueue_dma source(%dma_start3A_55 : memref<624x128xf32, #tpu.memory_space<vmem_shared>>) target(%dma_start3A_53 : memref<624x128xf32, #tpu.memory_space<hbm>>) target_semaphore(%run_scoped3A_51 : memref<!tpu.dma_semaphore, #tpu.memory_space<semaphore_mem>>)
      %dma_wait3A_56 = arith.constant 0 : i32
      %dma_wait3A_57 = tpu.memref_slice %arg5[%add3A_45, %dma_wait3A_56] : memref<20000x128xf32, #tpu.memory_space<hbm>> -> memref<624x128xf32, #tpu.memory_space<hbm>>
      %dma_wait3A_58 = arith.constant 0 : i32
      %dma_wait3A_59 = tpu.memref_slice %arg10[%mul3A_8, %dma_wait3A_58] : memref<10000x128xf32, #tpu.memory_space<vmem_shared>> -> memref<624x128xf32, #tpu.memory_space<vmem_shared>>
      tpu.wait_dma2 semaphore(%run_scoped3A_51 : memref<!tpu.dma_semaphore, #tpu.memory_space<semaphore_mem>>) src(%dma_wait3A_59 : memref<624x128xf32, #tpu.memory_space<vmem_shared>>) dst(%dma_wait3A_57 : memref<624x128xf32, #tpu.memory_space<hbm>>)
      tpu.yield
    }) : () -> ()
    %eq3A_46 = arith.constant 15 : i32
    %eq3A_47 = arith.cmpi eq, %arg1, %eq3A_46 : i32
    %convert_element_type3A_48 = arith.extui %eq3A_47 : i1 to i32
    %cond3A_49 = arith.constant 0 : i32
    %cond3A_50 = arith.cmpi ne, %convert_element_type3A_48, %cond3A_49 : i32
    scf.if %cond3A_50 {
      %mul3A_51 = arith.constant 10000 : i32
      %mul3A_52 = arith.muli %arg0, %mul3A_51 : i32
      %add3A_53 = arith.constant 9984 : i32
      %add3A_54 = arith.addi %mul3A_52, %add3A_53 : i32
      "tpu.region"() ({
        %run_scoped3A_55 = tpu.sem_alloc : memref<!tpu.dma_semaphore, #tpu.memory_space<semaphore_mem>>
        %dma_start3A_56 = arith.constant 0 : i32
        %dma_start3A_57 = tpu.memref_slice %arg5[%add3A_54, %dma_start3A_56] : memref<20000x128xf32, #tpu.memory_space<hbm>> -> memref<16x128xf32, #tpu.memory_space<hbm>>
        %dma_start3A_58 = arith.constant 9984 : i32
        %dma_start3A_59 = arith.constant 0 : i32
        %dma_start3A_60 = tpu.memref_slice %arg10[%dma_start3A_58, %dma_start3A_59] : memref<10000x128xf32, #tpu.memory_space<vmem_shared>> -> memref<16x128xf32, #tpu.memory_space<vmem_shared>>
        tpu.enqueue_dma source(%dma_start3A_60 : memref<16x128xf32, #tpu.memory_space<vmem_shared>>) target(%dma_start3A_57 : memref<16x128xf32, #tpu.memory_space<hbm>>) target_semaphore(%run_scoped3A_55 : memref<!tpu.dma_semaphore, #tpu.memory_space<semaphore_mem>>)
        %dma_wait3A_61 = arith.constant 0 : i32
        %dma_wait3A_62 = tpu.memref_slice %arg5[%add3A_54, %dma_wait3A_61] : memref<20000x128xf32, #tpu.memory_space<hbm>> -> memref<16x128xf32, #tpu.memory_space<hbm>>
        %dma_wait3A_63 = arith.constant 9984 : i32
        %dma_wait3A_64 = arith.constant 0 : i32
        %dma_wait3A_65 = tpu.memref_slice %arg10[%dma_wait3A_63, %dma_wait3A_64] : memref<10000x128xf32, #tpu.memory_space<vmem_shared>> -> memref<16x128xf32, #tpu.memory_space<vmem_shared>>
        tpu.wait_dma2 semaphore(%run_scoped3A_55 : memref<!tpu.dma_semaphore, #tpu.memory_space<semaphore_mem>>) src(%dma_wait3A_65 : memref<16x128xf32, #tpu.memory_space<vmem_shared>>) dst(%dma_wait3A_62 : memref<16x128xf32, #tpu.memory_space<hbm>>)
        tpu.yield
      }) : () -> ()
    } else {
    }
    return
  }
}

#map = affine_map<(d0, d1) -> (0, 0)>
#map1 = affine_map<(d0, d1) -> (0, 0, 0)>
module attributes {stable_mosaic.version = 14 : i64} {
  func.func @_sc_conv(%arg0: i32, %arg1: i32, %arg2: memref<32x10000xi32, #tpu.memory_space<hbm>>, %arg3: memref<32x125x80xi32, #tpu.memory_space<hbm>>, %arg4: memref<320000x128xf32, #tpu.memory_space<hbm>>, %arg5: memref<20000x128xf32, #tpu.memory_space<hbm>>, %arg6: memref<10000xi32, #tpu.memory_space<vmem>>, %arg7: memref<125x80xi32, #tpu.memory_space<vmem>>, %arg8: memref<80x128xf32, #tpu.memory_space<vmem>>, %arg9: memref<80x128xf32, #tpu.memory_space<vmem>>, %arg10: memref<10000x128xf32, #tpu.memory_space<vmem_shared>>, %arg11: memref<!tpu.dma_semaphore, #tpu.memory_space<semaphore_mem>>, %arg12: memref<!tpu.dma_semaphore, #tpu.memory_space<semaphore_mem>>) attributes {dimension_semantics = [#tpu.dimension_semantics<core_parallel>, #tpu.dimension_semantics<subcore_parallel>], iteration_bounds = array<i64: 2, 16>, scalar_prefetch = 0 : i64, scratch_operands = 7 : i64, tpu.core_type = #tpu.core_type<sc_vector_subcore>, window_params = [{transform_indices = #map}, {transform_indices = #map1}, {transform_indices = #map}, {transform_indices = #map}]} {
    %mul3A = arith.constant 16 : i32
    %mul3A_0 = arith.muli %arg0, %mul3A : i32
    %add3A = arith.addi %mul3A_0, %arg1 : i32
    "tpu.region"() ({
      %run_scoped3A_51 = tpu.sem_alloc : memref<!tpu.dma_semaphore, #tpu.memory_space<semaphore_mem>>
      %dma_start3A_52 = arith.constant 0 : i32
      %dma_start3A_53 = tpu.memref_slice %arg2[%add3A, %dma_start3A_52] : memref<32x10000xi32, #tpu.memory_space<hbm>> -> memref<1x10000xi32, #tpu.memory_space<hbm>>
      %dma_start3A_54 = tpu.memref_squeeze %dma_start3A_53 : memref<1x10000xi32, #tpu.memory_space<hbm>> -> memref<10000xi32, #tpu.memory_space<hbm>>
      %dma_start3A_55 = arith.constant 0 : i32
      %dma_start3A_56 = tpu.memref_slice %arg2[%add3A, %dma_start3A_55] : memref<32x10000xi32, #tpu.memory_space<hbm>> -> memref<1x10000xi32, #tpu.memory_space<hbm>>
      %dma_start3A_57 = tpu.memref_squeeze %dma_start3A_56 : memref<1x10000xi32, #tpu.memory_space<hbm>> -> memref<10000xi32, #tpu.memory_space<hbm>>
      tpu.enqueue_dma source(%dma_start3A_57 : memref<10000xi32, #tpu.memory_space<hbm>>) target(%arg6 : memref<10000xi32, #tpu.memory_space<vmem>>) target_semaphore(%run_scoped3A_51 : memref<!tpu.dma_semaphore, #tpu.memory_space<semaphore_mem>>)
      %dma_wait3A_58 = arith.constant 0 : i32
      %dma_wait3A_59 = tpu.memref_slice %arg2[%add3A, %dma_wait3A_58] : memref<32x10000xi32, #tpu.memory_space<hbm>> -> memref<1x10000xi32, #tpu.memory_space<hbm>>
      %dma_wait3A_60 = tpu.memref_squeeze %dma_wait3A_59 : memref<1x10000xi32, #tpu.memory_space<hbm>> -> memref<10000xi32, #tpu.memory_space<hbm>>
      %dma_wait3A_61 = arith.constant 0 : i32
      %dma_wait3A_62 = tpu.memref_slice %arg2[%add3A, %dma_wait3A_61] : memref<32x10000xi32, #tpu.memory_space<hbm>> -> memref<1x10000xi32, #tpu.memory_space<hbm>>
      %dma_wait3A_63 = tpu.memref_squeeze %dma_wait3A_62 : memref<1x10000xi32, #tpu.memory_space<hbm>> -> memref<10000xi32, #tpu.memory_space<hbm>>
      tpu.wait_dma2 semaphore(%run_scoped3A_51 : memref<!tpu.dma_semaphore, #tpu.memory_space<semaphore_mem>>) src(%dma_wait3A_63 : memref<10000xi32, #tpu.memory_space<hbm>>) dst(%arg6 : memref<10000xi32, #tpu.memory_space<vmem>>)
      tpu.yield
    }) : () -> ()
    "tpu.region"() ({
      %run_scoped3A_51 = tpu.sem_alloc : memref<!tpu.dma_semaphore, #tpu.memory_space<semaphore_mem>>
      %dma_start3A_52 = arith.constant 0 : i32
      %dma_start3A_53 = arith.constant 0 : i32
      %dma_start3A_54 = tpu.memref_slice %arg3[%add3A, %dma_start3A_52, %dma_start3A_53] : memref<32x125x80xi32, #tpu.memory_space<hbm>> -> memref<1x125x80xi32, #tpu.memory_space<hbm>>
      %dma_start3A_55 = tpu.memref_squeeze %dma_start3A_54 : memref<1x125x80xi32, #tpu.memory_space<hbm>> -> memref<125x80xi32, #tpu.memory_space<hbm>>
      %dma_start3A_56 = arith.constant 0 : i32
      %dma_start3A_57 = arith.constant 0 : i32
      %dma_start3A_58 = tpu.memref_slice %arg3[%add3A, %dma_start3A_56, %dma_start3A_57] : memref<32x125x80xi32, #tpu.memory_space<hbm>> -> memref<1x125x80xi32, #tpu.memory_space<hbm>>
      %dma_start3A_59 = tpu.memref_squeeze %dma_start3A_58 : memref<1x125x80xi32, #tpu.memory_space<hbm>> -> memref<125x80xi32, #tpu.memory_space<hbm>>
      tpu.enqueue_dma source(%dma_start3A_59 : memref<125x80xi32, #tpu.memory_space<hbm>>) target(%arg7 : memref<125x80xi32, #tpu.memory_space<vmem>>) target_semaphore(%run_scoped3A_51 : memref<!tpu.dma_semaphore, #tpu.memory_space<semaphore_mem>>)
      %dma_wait3A_60 = arith.constant 0 : i32
      %dma_wait3A_61 = arith.constant 0 : i32
      %dma_wait3A_62 = tpu.memref_slice %arg3[%add3A, %dma_wait3A_60, %dma_wait3A_61] : memref<32x125x80xi32, #tpu.memory_space<hbm>> -> memref<1x125x80xi32, #tpu.memory_space<hbm>>
      %dma_wait3A_63 = tpu.memref_squeeze %dma_wait3A_62 : memref<1x125x80xi32, #tpu.memory_space<hbm>> -> memref<125x80xi32, #tpu.memory_space<hbm>>
      %dma_wait3A_64 = arith.constant 0 : i32
      %dma_wait3A_65 = arith.constant 0 : i32
      %dma_wait3A_66 = tpu.memref_slice %arg3[%add3A, %dma_wait3A_64, %dma_wait3A_65] : memref<32x125x80xi32, #tpu.memory_space<hbm>> -> memref<1x125x80xi32, #tpu.memory_space<hbm>>
      %dma_wait3A_67 = tpu.memref_squeeze %dma_wait3A_66 : memref<1x125x80xi32, #tpu.memory_space<hbm>> -> memref<125x80xi32, #tpu.memory_space<hbm>>
      tpu.wait_dma2 semaphore(%run_scoped3A_51 : memref<!tpu.dma_semaphore, #tpu.memory_space<semaphore_mem>>) src(%dma_wait3A_67 : memref<125x80xi32, #tpu.memory_space<hbm>>) dst(%arg7 : memref<125x80xi32, #tpu.memory_space<vmem>>)
      tpu.yield
    }) : () -> ()
    %scan3A = arith.constant 0 : i32
    %scan3A_1 = arith.constant 0 : i32
    %scan3A_2 = arith.constant 80 : i32
    %scan3A_3 = arith.addi %scan3A_1, %scan3A_2 : i32
    %scan3A_4 = arith.constant 1 : i32
    %scan3A_5 = scf.for %scan3A_51 = %scan3A_1 to %scan3A_3 step %scan3A_4 iter_args(%scan3A_52 = %scan3A) -> (i32)  : i32 {
      %broadcast_in_dim3A = arith.constant 0.000000e+00 : f32
      %broadcast_in_dim3A_53 = vector.broadcast %broadcast_in_dim3A : f32 to vector<16xf32>
      %swap3A = arith.index_cast %scan3A_51 : i32 to index
      %swap3A_54 = arith.constant 0 : index
      %swap3A_55 = tpu.vector_load %arg8[%swap3A, %swap3A_54] {strides = array<i32>} : memref<80x128xf32, #tpu.memory_space<vmem>>, vector<1x16xf32>,
      %swap3A_56 = vector.shape_cast %swap3A_55 : vector<1x16xf32> to vector<16xf32>
      %swap3A_57 = vector.shape_cast %broadcast_in_dim3A_53 : vector<16xf32> to vector<1x16xf32>
      tpu.vector_store %arg8[%swap3A, %swap3A_54], %swap3A_57 {strides = array<i32>} : memref<80x128xf32, #tpu.memory_space<vmem>>, vector<1x16xf32>,
      %broadcast_in_dim3A_58 = arith.constant 0.000000e+00 : f32
      %broadcast_in_dim3A_59 = vector.broadcast %broadcast_in_dim3A_58 : f32 to vector<16xf32>
      %swap3A_60 = arith.index_cast %scan3A_51 : i32 to index
      %swap3A_61 = arith.constant 16 : index
      %swap3A_62 = tpu.vector_load %arg8[%swap3A_60, %swap3A_61] {strides = array<i32>} : memref<80x128xf32, #tpu.memory_space<vmem>>, vector<1x16xf32>,
      %swap3A_63 = vector.shape_cast %swap3A_62 : vector<1x16xf32> to vector<16xf32>
      %swap3A_64 = vector.shape_cast %broadcast_in_dim3A_59 : vector<16xf32> to vector<1x16xf32>
      tpu.vector_store %arg8[%swap3A_60, %swap3A_61], %swap3A_64 {strides = array<i32>} : memref<80x128xf32, #tpu.memory_space<vmem>>, vector<1x16xf32>,
      %broadcast_in_dim3A_65 = arith.constant 0.000000e+00 : f32
      %broadcast_in_dim3A_66 = vector.broadcast %broadcast_in_dim3A_65 : f32 to vector<16xf32>
      %swap3A_67 = arith.index_cast %scan3A_51 : i32 to index
      %swap3A_68 = arith.constant 32 : index
      %swap3A_69 = tpu.vector_load %arg8[%swap3A_67, %swap3A_68] {strides = array<i32>} : memref<80x128xf32, #tpu.memory_space<vmem>>, vector<1x16xf32>,
      %swap3A_70 = vector.shape_cast %swap3A_69 : vector<1x16xf32> to vector<16xf32>
      %swap3A_71 = vector.shape_cast %broadcast_in_dim3A_66 : vector<16xf32> to vector<1x16xf32>
      tpu.vector_store %arg8[%swap3A_67, %swap3A_68], %swap3A_71 {strides = array<i32>} : memref<80x128xf32, #tpu.memory_space<vmem>>, vector<1x16xf32>,
      %broadcast_in_dim3A_72 = arith.constant 0.000000e+00 : f32
      %broadcast_in_dim3A_73 = vector.broadcast %broadcast_in_dim3A_72 : f32 to vector<16xf32>
      %swap3A_74 = arith.index_cast %scan3A_51 : i32 to index
      %swap3A_75 = arith.constant 48 : index
      %swap3A_76 = tpu.vector_load %arg8[%swap3A_74, %swap3A_75] {strides = array<i32>} : memref<80x128xf32, #tpu.memory_space<vmem>>, vector<1x16xf32>,
      %swap3A_77 = vector.shape_cast %swap3A_76 : vector<1x16xf32> to vector<16xf32>
      %swap3A_78 = vector.shape_cast %broadcast_in_dim3A_73 : vector<16xf32> to vector<1x16xf32>
      tpu.vector_store %arg8[%swap3A_74, %swap3A_75], %swap3A_78 {strides = array<i32>} : memref<80x128xf32, #tpu.memory_space<vmem>>, vector<1x16xf32>,
      %broadcast_in_dim3A_79 = arith.constant 0.000000e+00 : f32
      %broadcast_in_dim3A_80 = vector.broadcast %broadcast_in_dim3A_79 : f32 to vector<16xf32>
      %swap3A_81 = arith.index_cast %scan3A_51 : i32 to index
      %swap3A_82 = arith.constant 64 : index
      %swap3A_83 = tpu.vector_load %arg8[%swap3A_81, %swap3A_82] {strides = array<i32>} : memref<80x128xf32, #tpu.memory_space<vmem>>, vector<1x16xf32>,
      %swap3A_84 = vector.shape_cast %swap3A_83 : vector<1x16xf32> to vector<16xf32>
      %swap3A_85 = vector.shape_cast %broadcast_in_dim3A_80 : vector<16xf32> to vector<1x16xf32>
      tpu.vector_store %arg8[%swap3A_81, %swap3A_82], %swap3A_85 {strides = array<i32>} : memref<80x128xf32, #tpu.memory_space<vmem>>, vector<1x16xf32>,
      %broadcast_in_dim3A_86 = arith.constant 0.000000e+00 : f32
      %broadcast_in_dim3A_87 = vector.broadcast %broadcast_in_dim3A_86 : f32 to vector<16xf32>
      %swap3A_88 = arith.index_cast %scan3A_51 : i32 to index
      %swap3A_89 = arith.constant 80 : index
      %swap3A_90 = tpu.vector_load %arg8[%swap3A_88, %swap3A_89] {strides = array<i32>} : memref<80x128xf32, #tpu.memory_space<vmem>>, vector<1x16xf32>,
      %swap3A_91 = vector.shape_cast %swap3A_90 : vector<1x16xf32> to vector<16xf32>
      %swap3A_92 = vector.shape_cast %broadcast_in_dim3A_87 : vector<16xf32> to vector<1x16xf32>
      tpu.vector_store %arg8[%swap3A_88, %swap3A_89], %swap3A_92 {strides = array<i32>} : memref<80x128xf32, #tpu.memory_space<vmem>>, vector<1x16xf32>,
      %broadcast_in_dim3A_93 = arith.constant 0.000000e+00 : f32
      %broadcast_in_dim3A_94 = vector.broadcast %broadcast_in_dim3A_93 : f32 to vector<16xf32>
      %swap3A_95 = arith.index_cast %scan3A_51 : i32 to index
      %swap3A_96 = arith.constant 96 : index
      %swap3A_97 = tpu.vector_load %arg8[%swap3A_95, %swap3A_96] {strides = array<i32>} : memref<80x128xf32, #tpu.memory_space<vmem>>, vector<1x16xf32>,
      %swap3A_98 = vector.shape_cast %swap3A_97 : vector<1x16xf32> to vector<16xf32>
      %swap3A_99 = vector.shape_cast %broadcast_in_dim3A_94 : vector<16xf32> to vector<1x16xf32>
      tpu.vector_store %arg8[%swap3A_95, %swap3A_96], %swap3A_99 {strides = array<i32>} : memref<80x128xf32, #tpu.memory_space<vmem>>, vector<1x16xf32>,
      %broadcast_in_dim3A_100 = arith.constant 0.000000e+00 : f32
      %broadcast_in_dim3A_101 = vector.broadcast %broadcast_in_dim3A_100 : f32 to vector<16xf32>
      %swap3A_102 = arith.index_cast %scan3A_51 : i32 to index
      %swap3A_103 = arith.constant 112 : index
      %swap3A_104 = tpu.vector_load %arg8[%swap3A_102, %swap3A_103] {strides = array<i32>} : memref<80x128xf32, #tpu.memory_space<vmem>>, vector<1x16xf32>,
      %swap3A_105 = vector.shape_cast %swap3A_104 : vector<1x16xf32> to vector<16xf32>
      %swap3A_106 = vector.shape_cast %broadcast_in_dim3A_101 : vector<16xf32> to vector<1x16xf32>
      tpu.vector_store %arg8[%swap3A_102, %swap3A_103], %swap3A_106 {strides = array<i32>} : memref<80x128xf32, #tpu.memory_space<vmem>>, vector<1x16xf32>,
      %scan3A_107 = arith.constant 0 : i32
      scf.yield %scan3A_107 : i32
    }
    %scan3A_6 = arith.constant 80 : i32
    %mul3A_7 = arith.constant 624 : i32
    %mul3A_8 = arith.muli %arg1, %mul3A_7 : i32
    %add3A_9 = arith.constant 0 : i32
    %add3A_10 = arith.addi %mul3A_8, %add3A_9 : i32
    "tpu.region"() ({
      %run_scoped3A_51 = tpu.sem_alloc : memref<!tpu.dma_semaphore, #tpu.memory_space<semaphore_mem>>
      %dma_start3A_52 = arith.constant 0 : i32
      %dma_start3A_53 = tpu.memref_slice %arg10[%add3A_10, %dma_start3A_52] : memref<10000x128xf32, #tpu.memory_space<vmem_shared>> -> memref<80x128xf32, #tpu.memory_space<vmem_shared>>
      %dma_start3A_54 = arith.constant 0 : i32
      %dma_start3A_55 = tpu.memref_slice %arg10[%add3A_10, %dma_start3A_54] : memref<10000x128xf32, #tpu.memory_space<vmem_shared>> -> memref<80x128xf32, #tpu.memory_space<vmem_shared>>
      tpu.enqueue_dma source(%arg8 : memref<80x128xf32, #tpu.memory_space<vmem>>) target(%dma_start3A_55 : memref<80x128xf32, #tpu.memory_space<vmem_shared>>) target_semaphore(%run_scoped3A_51 : memref<!tpu.dma_semaphore, #tpu.memory_space<semaphore_mem>>)
      %dma_wait3A_56 = arith.constant 0 : i32
      %dma_wait3A_57 = tpu.memref_slice %arg10[%add3A_10, %dma_wait3A_56] : memref<10000x128xf32, #tpu.memory_space<vmem_shared>> -> memref<80x128xf32, #tpu.memory_space<vmem_shared>>
      %dma_wait3A_58 = arith.constant 0 : i32
      %dma_wait3A_59 = tpu.memref_slice %arg10[%add3A_10, %dma_wait3A_58] : memref<10000x128xf32, #tpu.memory_space<vmem_shared>> -> memref<80x128xf32, #tpu.memory_space<vmem_shared>>
      tpu.wait_dma2 semaphore(%run_scoped3A_51 : memref<!tpu.dma_semaphore, #tpu.memory_space<semaphore_mem>>) src(%arg8 : memref<80x128xf32, #tpu.memory_space<vmem>>) dst(%dma_wait3A_59 : memref<80x128xf32, #tpu.memory_space<vmem_shared>>)
      tpu.yield
    }) : () -> ()
    %add3A_11 = arith.constant 80 : i32
    %add3A_12 = arith.addi %mul3A_8, %add3A_11 : i32
    "tpu.region"() ({
      %run_scoped3A_51 = tpu.sem_alloc : memref<!tpu.dma_semaphore, #tpu.memory_space<semaphore_mem>>
      %dma_start3A_52 = arith.constant 0 : i32
      %dma_start3A_53 = tpu.memref_slice %arg10[%add3A_12, %dma_start3A_52] : memref<10000x128xf32, #tpu.memory_space<vmem_shared>> -> memref<80x128xf32, #tpu.memory_space<vmem_shared>>
      %dma_start3A_54 = arith.constant 0 : i32
      %dma_start3A_55 = tpu.memref_slice %arg10[%add3A_12, %dma_start3A_54] : memref<10000x128xf32, #tpu.memory_space<vmem_shared>> -> memref<80x128xf32, #tpu.memory_space<vmem_shared>>
      tpu.enqueue_dma source(%arg8 : memref<80x128xf32, #tpu.memory_space<vmem>>) target(%dma_start3A_55 : memref<80x128xf32, #tpu.memory_space<vmem_shared>>) target_semaphore(%run_scoped3A_51 : memref<!tpu.dma_semaphore, #tpu.memory_space<semaphore_mem>>)
      %dma_wait3A_56 = arith.constant 0 : i32
      %dma_wait3A_57 = tpu.memref_slice %arg10[%add3A_12, %dma_wait3A_56] : memref<10000x128xf32, #tpu.memory_space<vmem_shared>> -> memref<80x128xf32, #tpu.memory_space<vmem_shared>>
      %dma_wait3A_58 = arith.constant 0 : i32
      %dma_wait3A_59 = tpu.memref_slice %arg10[%add3A_12, %dma_wait3A_58] : memref<10000x128xf32, #tpu.memory_space<vmem_shared>> -> memref<80x128xf32, #tpu.memory_space<vmem_shared>>
      tpu.wait_dma2 semaphore(%run_scoped3A_51 : memref<!tpu.dma_semaphore, #tpu.memory_space<semaphore_mem>>) src(%arg8 : memref<80x128xf32, #tpu.memory_space<vmem>>) dst(%dma_wait3A_59 : memref<80x128xf32, #tpu.memory_space<vmem_shared>>)
      tpu.yield
    }) : () -> ()
    %add3A_13 = arith.constant 160 : i32
    %add3A_14 = arith.addi %mul3A_8, %add3A_13 : i32
    "tpu.region"() ({
      %run_scoped3A_51 = tpu.sem_alloc : memref<!tpu.dma_semaphore, #tpu.memory_space<semaphore_mem>>
      %dma_start3A_52 = arith.constant 0 : i32
      %dma_start3A_53 = tpu.memref_slice %arg10[%add3A_14, %dma_start3A_52] : memref<10000x128xf32, #tpu.memory_space<vmem_shared>> -> memref<80x128xf32, #tpu.memory_space<vmem_shared>>
      %dma_start3A_54 = arith.constant 0 : i32
      %dma_start3A_55 = tpu.memref_slice %arg10[%add3A_14, %dma_start3A_54] : memref<10000x128xf32, #tpu.memory_space<vmem_shared>> -> memref<80x128xf32, #tpu.memory_space<vmem_shared>>
      tpu.enqueue_dma source(%arg8 : memref<80x128xf32, #tpu.memory_space<vmem>>) target(%dma_start3A_55 : memref<80x128xf32, #tpu.memory_space<vmem_shared>>) target_semaphore(%run_scoped3A_51 : memref<!tpu.dma_semaphore, #tpu.memory_space<semaphore_mem>>)
      %dma_wait3A_56 = arith.constant 0 : i32
      %dma_wait3A_57 = tpu.memref_slice %arg10[%add3A_14, %dma_wait3A_56] : memref<10000x128xf32, #tpu.memory_space<vmem_shared>> -> memref<80x128xf32, #tpu.memory_space<vmem_shared>>
      %dma_wait3A_58 = arith.constant 0 : i32
      %dma_wait3A_59 = tpu.memref_slice %arg10[%add3A_14, %dma_wait3A_58] : memref<10000x128xf32, #tpu.memory_space<vmem_shared>> -> memref<80x128xf32, #tpu.memory_space<vmem_shared>>
      tpu.wait_dma2 semaphore(%run_scoped3A_51 : memref<!tpu.dma_semaphore, #tpu.memory_space<semaphore_mem>>) src(%arg8 : memref<80x128xf32, #tpu.memory_space<vmem>>) dst(%dma_wait3A_59 : memref<80x128xf32, #tpu.memory_space<vmem_shared>>)
      tpu.yield
    }) : () -> ()
    %add3A_15 = arith.constant 240 : i32
    %add3A_16 = arith.addi %mul3A_8, %add3A_15 : i32
    "tpu.region"() ({
      %run_scoped3A_51 = tpu.sem_alloc : memref<!tpu.dma_semaphore, #tpu.memory_space<semaphore_mem>>
      %dma_start3A_52 = arith.constant 0 : i32
      %dma_start3A_53 = tpu.memref_slice %arg10[%add3A_16, %dma_start3A_52] : memref<10000x128xf32, #tpu.memory_space<vmem_shared>> -> memref<80x128xf32, #tpu.memory_space<vmem_shared>>
      %dma_start3A_54 = arith.constant 0 : i32
      %dma_start3A_55 = tpu.memref_slice %arg10[%add3A_16, %dma_start3A_54] : memref<10000x128xf32, #tpu.memory_space<vmem_shared>> -> memref<80x128xf32, #tpu.memory_space<vmem_shared>>
      tpu.enqueue_dma source(%arg8 : memref<80x128xf32, #tpu.memory_space<vmem>>) target(%dma_start3A_55 : memref<80x128xf32, #tpu.memory_space<vmem_shared>>) target_semaphore(%run_scoped3A_51 : memref<!tpu.dma_semaphore, #tpu.memory_space<semaphore_mem>>)
      %dma_wait3A_56 = arith.constant 0 : i32
      %dma_wait3A_57 = tpu.memref_slice %arg10[%add3A_16, %dma_wait3A_56] : memref<10000x128xf32, #tpu.memory_space<vmem_shared>> -> memref<80x128xf32, #tpu.memory_space<vmem_shared>>
      %dma_wait3A_58 = arith.constant 0 : i32
      %dma_wait3A_59 = tpu.memref_slice %arg10[%add3A_16, %dma_wait3A_58] : memref<10000x128xf32, #tpu.memory_space<vmem_shared>> -> memref<80x128xf32, #tpu.memory_space<vmem_shared>>
      tpu.wait_dma2 semaphore(%run_scoped3A_51 : memref<!tpu.dma_semaphore, #tpu.memory_space<semaphore_mem>>) src(%arg8 : memref<80x128xf32, #tpu.memory_space<vmem>>) dst(%dma_wait3A_59 : memref<80x128xf32, #tpu.memory_space<vmem_shared>>)
      tpu.yield
    }) : () -> ()
    %add3A_17 = arith.constant 320 : i32
    %add3A_18 = arith.addi %mul3A_8, %add3A_17 : i32
    "tpu.region"() ({
      %run_scoped3A_51 = tpu.sem_alloc : memref<!tpu.dma_semaphore, #tpu.memory_space<semaphore_mem>>
      %dma_start3A_52 = arith.constant 0 : i32
      %dma_start3A_53 = tpu.memref_slice %arg10[%add3A_18, %dma_start3A_52] : memref<10000x128xf32, #tpu.memory_space<vmem_shared>> -> memref<80x128xf32, #tpu.memory_space<vmem_shared>>
      %dma_start3A_54 = arith.constant 0 : i32
      %dma_start3A_55 = tpu.memref_slice %arg10[%add3A_18, %dma_start3A_54] : memref<10000x128xf32, #tpu.memory_space<vmem_shared>> -> memref<80x128xf32, #tpu.memory_space<vmem_shared>>
      tpu.enqueue_dma source(%arg8 : memref<80x128xf32, #tpu.memory_space<vmem>>) target(%dma_start3A_55 : memref<80x128xf32, #tpu.memory_space<vmem_shared>>) target_semaphore(%run_scoped3A_51 : memref<!tpu.dma_semaphore, #tpu.memory_space<semaphore_mem>>)
      %dma_wait3A_56 = arith.constant 0 : i32
      %dma_wait3A_57 = tpu.memref_slice %arg10[%add3A_18, %dma_wait3A_56] : memref<10000x128xf32, #tpu.memory_space<vmem_shared>> -> memref<80x128xf32, #tpu.memory_space<vmem_shared>>
      %dma_wait3A_58 = arith.constant 0 : i32
      %dma_wait3A_59 = tpu.memref_slice %arg10[%add3A_18, %dma_wait3A_58] : memref<10000x128xf32, #tpu.memory_space<vmem_shared>> -> memref<80x128xf32, #tpu.memory_space<vmem_shared>>
      tpu.wait_dma2 semaphore(%run_scoped3A_51 : memref<!tpu.dma_semaphore, #tpu.memory_space<semaphore_mem>>) src(%arg8 : memref<80x128xf32, #tpu.memory_space<vmem>>) dst(%dma_wait3A_59 : memref<80x128xf32, #tpu.memory_space<vmem_shared>>)
      tpu.yield
    }) : () -> ()
    %add3A_19 = arith.constant 400 : i32
    %add3A_20 = arith.addi %mul3A_8, %add3A_19 : i32
    "tpu.region"() ({
      %run_scoped3A_51 = tpu.sem_alloc : memref<!tpu.dma_semaphore, #tpu.memory_space<semaphore_mem>>
      %dma_start3A_52 = arith.constant 0 : i32
      %dma_start3A_53 = tpu.memref_slice %arg10[%add3A_20, %dma_start3A_52] : memref<10000x128xf32, #tpu.memory_space<vmem_shared>> -> memref<80x128xf32, #tpu.memory_space<vmem_shared>>
      %dma_start3A_54 = arith.constant 0 : i32
      %dma_start3A_55 = tpu.memref_slice %arg10[%add3A_20, %dma_start3A_54] : memref<10000x128xf32, #tpu.memory_space<vmem_shared>> -> memref<80x128xf32, #tpu.memory_space<vmem_shared>>
      tpu.enqueue_dma source(%arg8 : memref<80x128xf32, #tpu.memory_space<vmem>>) target(%dma_start3A_55 : memref<80x128xf32, #tpu.memory_space<vmem_shared>>) target_semaphore(%run_scoped3A_51 : memref<!tpu.dma_semaphore, #tpu.memory_space<semaphore_mem>>)
      %dma_wait3A_56 = arith.constant 0 : i32
      %dma_wait3A_57 = tpu.memref_slice %arg10[%add3A_20, %dma_wait3A_56] : memref<10000x128xf32, #tpu.memory_space<vmem_shared>> -> memref<80x128xf32, #tpu.memory_space<vmem_shared>>
      %dma_wait3A_58 = arith.constant 0 : i32
      %dma_wait3A_59 = tpu.memref_slice %arg10[%add3A_20, %dma_wait3A_58] : memref<10000x128xf32, #tpu.memory_space<vmem_shared>> -> memref<80x128xf32, #tpu.memory_space<vmem_shared>>
      tpu.wait_dma2 semaphore(%run_scoped3A_51 : memref<!tpu.dma_semaphore, #tpu.memory_space<semaphore_mem>>) src(%arg8 : memref<80x128xf32, #tpu.memory_space<vmem>>) dst(%dma_wait3A_59 : memref<80x128xf32, #tpu.memory_space<vmem_shared>>)
      tpu.yield
    }) : () -> ()
    %add3A_21 = arith.constant 480 : i32
    %add3A_22 = arith.addi %mul3A_8, %add3A_21 : i32
    "tpu.region"() ({
      %run_scoped3A_51 = tpu.sem_alloc : memref<!tpu.dma_semaphore, #tpu.memory_space<semaphore_mem>>
      %dma_start3A_52 = arith.constant 0 : i32
      %dma_start3A_53 = tpu.memref_slice %arg10[%add3A_22, %dma_start3A_52] : memref<10000x128xf32, #tpu.memory_space<vmem_shared>> -> memref<80x128xf32, #tpu.memory_space<vmem_shared>>
      %dma_start3A_54 = arith.constant 0 : i32
      %dma_start3A_55 = tpu.memref_slice %arg10[%add3A_22, %dma_start3A_54] : memref<10000x128xf32, #tpu.memory_space<vmem_shared>> -> memref<80x128xf32, #tpu.memory_space<vmem_shared>>
      tpu.enqueue_dma source(%arg8 : memref<80x128xf32, #tpu.memory_space<vmem>>) target(%dma_start3A_55 : memref<80x128xf32, #tpu.memory_space<vmem_shared>>) target_semaphore(%run_scoped3A_51 : memref<!tpu.dma_semaphore, #tpu.memory_space<semaphore_mem>>)
      %dma_wait3A_56 = arith.constant 0 : i32
      %dma_wait3A_57 = tpu.memref_slice %arg10[%add3A_22, %dma_wait3A_56] : memref<10000x128xf32, #tpu.memory_space<vmem_shared>> -> memref<80x128xf32, #tpu.memory_space<vmem_shared>>
      %dma_wait3A_58 = arith.constant 0 : i32
      %dma_wait3A_59 = tpu.memref_slice %arg10[%add3A_22, %dma_wait3A_58] : memref<10000x128xf32, #tpu.memory_space<vmem_shared>> -> memref<80x128xf32, #tpu.memory_space<vmem_shared>>
      tpu.wait_dma2 semaphore(%run_scoped3A_51 : memref<!tpu.dma_semaphore, #tpu.memory_space<semaphore_mem>>) src(%arg8 : memref<80x128xf32, #tpu.memory_space<vmem>>) dst(%dma_wait3A_59 : memref<80x128xf32, #tpu.memory_space<vmem_shared>>)
      tpu.yield
    }) : () -> ()
    %add3A_23 = arith.constant 560 : i32
    %add3A_24 = arith.addi %mul3A_8, %add3A_23 : i32
    "tpu.region"() ({
      %run_scoped3A_51 = tpu.sem_alloc : memref<!tpu.dma_semaphore, #tpu.memory_space<semaphore_mem>>
      %dma_start3A_52 = arith.constant 0 : i32
      %dma_start3A_53 = arith.constant 0 : i32
      %dma_start3A_54 = tpu.memref_slice %arg8[%dma_start3A_52, %dma_start3A_53] : memref<80x128xf32, #tpu.memory_space<vmem>> -> memref<64x128xf32, #tpu.memory_space<vmem>>
      %dma_start3A_55 = arith.constant 0 : i32
      %dma_start3A_56 = tpu.memref_slice %arg10[%add3A_24, %dma_start3A_55] : memref<10000x128xf32, #tpu.memory_space<vmem_shared>> -> memref<64x128xf32, #tpu.memory_space<vmem_shared>>
      %dma_start3A_57 = arith.constant 0 : i32
      %dma_start3A_58 = tpu.memref_slice %arg10[%add3A_24, %dma_start3A_57] : memref<10000x128xf32, #tpu.memory_space<vmem_shared>> -> memref<64x128xf32, #tpu.memory_space<vmem_shared>>
      %dma_start3A_59 = arith.constant 0 : i32
      %dma_start3A_60 = arith.constant 0 : i32
      %dma_start3A_61 = tpu.memref_slice %arg8[%dma_start3A_59, %dma_start3A_60] : memref<80x128xf32, #tpu.memory_space<vmem>> -> memref<64x128xf32, #tpu.memory_space<vmem>>
      tpu.enqueue_dma source(%dma_start3A_61 : memref<64x128xf32, #tpu.memory_space<vmem>>) target(%dma_start3A_58 : memref<64x128xf32, #tpu.memory_space<vmem_shared>>) target_semaphore(%run_scoped3A_51 : memref<!tpu.dma_semaphore, #tpu.memory_space<semaphore_mem>>)
      %dma_wait3A_62 = arith.constant 0 : i32
      %dma_wait3A_63 = arith.constant 0 : i32
      %dma_wait3A_64 = tpu.memref_slice %arg8[%dma_wait3A_62, %dma_wait3A_63] : memref<80x128xf32, #tpu.memory_space<vmem>> -> memref<64x128xf32, #tpu.memory_space<vmem>>
      %dma_wait3A_65 = arith.constant 0 : i32
      %dma_wait3A_66 = tpu.memref_slice %arg10[%add3A_24, %dma_wait3A_65] : memref<10000x128xf32, #tpu.memory_space<vmem_shared>> -> memref<64x128xf32, #tpu.memory_space<vmem_shared>>
      %dma_wait3A_67 = arith.constant 0 : i32
      %dma_wait3A_68 = tpu.memref_slice %arg10[%add3A_24, %dma_wait3A_67] : memref<10000x128xf32, #tpu.memory_space<vmem_shared>> -> memref<64x128xf32, #tpu.memory_space<vmem_shared>>
      %dma_wait3A_69 = arith.constant 0 : i32
      %dma_wait3A_70 = arith.constant 0 : i32
      %dma_wait3A_71 = tpu.memref_slice %arg8[%dma_wait3A_69, %dma_wait3A_70] : memref<80x128xf32, #tpu.memory_space<vmem>> -> memref<64x128xf32, #tpu.memory_space<vmem>>
      tpu.wait_dma2 semaphore(%run_scoped3A_51 : memref<!tpu.dma_semaphore, #tpu.memory_space<semaphore_mem>>) src(%dma_wait3A_71 : memref<64x128xf32, #tpu.memory_space<vmem>>) dst(%dma_wait3A_68 : memref<64x128xf32, #tpu.memory_space<vmem_shared>>)
      tpu.yield
    }) : () -> ()
    %eq3A = arith.constant 15 : i32
    %eq3A_25 = arith.cmpi eq, %arg1, %eq3A : i32
    %convert_element_type3A = arith.extui %eq3A_25 : i1 to i32
    %cond3A = arith.constant 0 : i32
    %cond3A_26 = arith.cmpi ne, %convert_element_type3A, %cond3A : i32
    scf.if %cond3A_26 {
      "tpu.region"() ({
        %run_scoped3A_51 = tpu.sem_alloc : memref<!tpu.dma_semaphore, #tpu.memory_space<semaphore_mem>>
        %dma_start3A_52 = arith.constant 0 : i32
        %dma_start3A_53 = arith.constant 0 : i32
        %dma_start3A_54 = tpu.memref_slice %arg8[%dma_start3A_52, %dma_start3A_53] : memref<80x128xf32, #tpu.memory_space<vmem>> -> memref<16x128xf32, #tpu.memory_space<vmem>>
        %dma_start3A_55 = arith.constant 9984 : i32
        %dma_start3A_56 = arith.constant 0 : i32
        %dma_start3A_57 = tpu.memref_slice %arg10[%dma_start3A_55, %dma_start3A_56] : memref<10000x128xf32, #tpu.memory_space<vmem_shared>> -> memref<16x128xf32, #tpu.memory_space<vmem_shared>>
        %dma_start3A_58 = arith.constant 9984 : i32
        %dma_start3A_59 = arith.constant 0 : i32
        %dma_start3A_60 = tpu.memref_slice %arg10[%dma_start3A_58, %dma_start3A_59] : memref<10000x128xf32, #tpu.memory_space<vmem_shared>> -> memref<16x128xf32, #tpu.memory_space<vmem_shared>>
        %dma_start3A_61 = arith.constant 0 : i32
        %dma_start3A_62 = arith.constant 0 : i32
        %dma_start3A_63 = tpu.memref_slice %arg8[%dma_start3A_61, %dma_start3A_62] : memref<80x128xf32, #tpu.memory_space<vmem>> -> memref<16x128xf32, #tpu.memory_space<vmem>>
        tpu.enqueue_dma source(%dma_start3A_63 : memref<16x128xf32, #tpu.memory_space<vmem>>) target(%dma_start3A_60 : memref<16x128xf32, #tpu.memory_space<vmem_shared>>) target_semaphore(%run_scoped3A_51 : memref<!tpu.dma_semaphore, #tpu.memory_space<semaphore_mem>>)
        %dma_wait3A_64 = arith.constant 0 : i32
        %dma_wait3A_65 = arith.constant 0 : i32
        %dma_wait3A_66 = tpu.memref_slice %arg8[%dma_wait3A_64, %dma_wait3A_65] : memref<80x128xf32, #tpu.memory_space<vmem>> -> memref<16x128xf32, #tpu.memory_space<vmem>>
        %dma_wait3A_67 = arith.constant 9984 : i32
        %dma_wait3A_68 = arith.constant 0 : i32
        %dma_wait3A_69 = tpu.memref_slice %arg10[%dma_wait3A_67, %dma_wait3A_68] : memref<10000x128xf32, #tpu.memory_space<vmem_shared>> -> memref<16x128xf32, #tpu.memory_space<vmem_shared>>
        %dma_wait3A_70 = arith.constant 9984 : i32
        %dma_wait3A_71 = arith.constant 0 : i32
        %dma_wait3A_72 = tpu.memref_slice %arg10[%dma_wait3A_70, %dma_wait3A_71] : memref<10000x128xf32, #tpu.memory_space<vmem_shared>> -> memref<16x128xf32, #tpu.memory_space<vmem_shared>>
        %dma_wait3A_73 = arith.constant 0 : i32
        %dma_wait3A_74 = arith.constant 0 : i32
        %dma_wait3A_75 = tpu.memref_slice %arg8[%dma_wait3A_73, %dma_wait3A_74] : memref<80x128xf32, #tpu.memory_space<vmem>> -> memref<16x128xf32, #tpu.memory_space<vmem>>
        tpu.wait_dma2 semaphore(%run_scoped3A_51 : memref<!tpu.dma_semaphore, #tpu.memory_space<semaphore_mem>>) src(%dma_wait3A_75 : memref<16x128xf32, #tpu.memory_space<vmem>>) dst(%dma_wait3A_72 : memref<16x128xf32, #tpu.memory_space<vmem_shared>>)
        tpu.yield
      }) : () -> ()
    } else {
    }
    %barrier3A = arith.constant 0 : index
    tpu.barrier barrier_id(%barrier3A)
    %dma_start3A = arith.constant 0 : i32
    %dma_start3A_27 = tpu.memref_slice %arg6[%dma_start3A] : memref<10000xi32, #tpu.memory_space<vmem>> -> memref<80xi32, #tpu.memory_space<vmem>>
    %dma_start3A_28 = arith.constant 0 : i32
    %dma_start3A_29 = arith.constant 0 : i32
    %dma_start3A_30 = tpu.memref_slice %arg4[%dma_start3A_28, %dma_start3A_29] : memref<320000x128xf32, #tpu.memory_space<hbm>> -> memref<320000x128xf32, #tpu.memory_space<hbm>>
    tpu.enqueue_indirect_dma source(%dma_start3A_30 : memref<320000x128xf32, #tpu.memory_space<hbm>>) target(%arg8 : memref<80x128xf32, #tpu.memory_space<vmem>>) offsets(%dma_start3A_27 : memref<80xi32, #tpu.memory_space<vmem>>) semaphore(%arg11 : memref<!tpu.dma_semaphore, #tpu.memory_space<semaphore_mem>>)
    %scan3A_31 = arith.constant 0 : i32
    %scan3A_32 = arith.constant 0 : i32
    %scan3A_33 = arith.constant 62 : i32
    %scan3A_34 = arith.addi %scan3A_32, %scan3A_33 : i32
    %scan3A_35 = arith.constant 1 : i32
    %scan3A_36 = scf.for %scan3A_51 = %scan3A_32 to %scan3A_34 step %scan3A_35 iter_args(%scan3A_52 = %scan3A_31) -> (i32)  : i32 {
      %mul3A_53 = arith.constant 2 : i32
      %mul3A_54 = arith.muli %mul3A_53, %scan3A_51 : i32
      %add3A_55 = arith.constant 1 : i32
      %add3A_56 = arith.addi %mul3A_54, %add3A_55 : i32
      %mul3A_57 = arith.constant 80 : i32
      %mul3A_58 = arith.muli %add3A_56, %mul3A_57 : i32
      %dma_start3A_59 = tpu.memref_slice %arg6[%mul3A_58] : memref<10000xi32, #tpu.memory_space<vmem>> -> memref<80xi32, #tpu.memory_space<vmem>>
      %dma_start3A_60 = arith.constant 0 : i32
      %dma_start3A_61 = arith.constant 0 : i32
      %dma_start3A_62 = tpu.memref_slice %arg4[%dma_start3A_60, %dma_start3A_61] : memref<320000x128xf32, #tpu.memory_space<hbm>> -> memref<320000x128xf32, #tpu.memory_space<hbm>>
      tpu.enqueue_indirect_dma source(%dma_start3A_62 : memref<320000x128xf32, #tpu.memory_space<hbm>>) target(%arg9 : memref<80x128xf32, #tpu.memory_space<vmem>>) offsets(%dma_start3A_59 : memref<80xi32, #tpu.memory_space<vmem>>) semaphore(%arg12 : memref<!tpu.dma_semaphore, #tpu.memory_space<semaphore_mem>>)
      %mul3A_63 = arith.constant 2 : i32
      %mul3A_64 = arith.muli %mul3A_63, %scan3A_51 : i32
      %mul3A_65 = arith.constant 80 : i32
      %mul3A_66 = arith.muli %mul3A_64, %mul3A_65 : i32
      %dma_wait3A_67 = tpu.memref_slice %arg6[%mul3A_66] : memref<10000xi32, #tpu.memory_space<vmem>> -> memref<80xi32, #tpu.memory_space<vmem>>
      %dma_wait3A_68 = arith.constant 0 : i32
      %dma_wait3A_69 = arith.constant 0 : i32
      %dma_wait3A_70 = tpu.memref_slice %arg4[%dma_wait3A_68, %dma_wait3A_69] : memref<320000x128xf32, #tpu.memory_space<hbm>> -> memref<320000x128xf32, #tpu.memory_space<hbm>>
      tpu.wait_indirect_dma semaphore(%arg11 : memref<!tpu.dma_semaphore, #tpu.memory_space<semaphore_mem>>) src(%dma_wait3A_70 : memref<320000x128xf32, #tpu.memory_space<hbm>>) dst(%arg8 : memref<80x128xf32, #tpu.memory_space<vmem>>)
      "tpu.region"() ({
        %run_scoped3A_92 = tpu.sem_alloc : memref<!tpu.dma_semaphore, #tpu.memory_space<semaphore_mem>>
        %dma_start3A_93 = arith.constant 0 : i32
        %dma_start3A_94 = tpu.memref_slice %arg7[%mul3A_64, %dma_start3A_93] : memref<125x80xi32, #tpu.memory_space<vmem>> -> memref<1x80xi32, #tpu.memory_space<vmem>>
        %dma_start3A_95 = tpu.memref_squeeze %dma_start3A_94 : memref<1x80xi32, #tpu.memory_space<vmem>> -> memref<80xi32, #tpu.memory_space<vmem>>
        %dma_start3A_96 = arith.constant 0 : i32
        %dma_start3A_97 = arith.constant 0 : i32
        %dma_start3A_98 = tpu.memref_slice %arg10[%dma_start3A_96, %dma_start3A_97] : memref<10000x128xf32, #tpu.memory_space<vmem_shared>> -> memref<10000x128xf32, #tpu.memory_space<vmem_shared>>
        tpu.enqueue_indirect_dma source(%arg8 : memref<80x128xf32, #tpu.memory_space<vmem>>) target(%dma_start3A_98 : memref<10000x128xf32, #tpu.memory_space<vmem_shared>>) offsets(%dma_start3A_95 : memref<80xi32, #tpu.memory_space<vmem>>) semaphore(%run_scoped3A_92 : memref<!tpu.dma_semaphore, #tpu.memory_space<semaphore_mem>>) {add = true}
        %dma_wait3A_99 = arith.constant 0 : i32
        %dma_wait3A_100 = tpu.memref_slice %arg7[%mul3A_64, %dma_wait3A_99] : memref<125x80xi32, #tpu.memory_space<vmem>> -> memref<1x80xi32, #tpu.memory_space<vmem>>
        %dma_wait3A_101 = tpu.memref_squeeze %dma_wait3A_100 : memref<1x80xi32, #tpu.memory_space<vmem>> -> memref<80xi32, #tpu.memory_space<vmem>>
        %dma_wait3A_102 = arith.constant 0 : i32
        %dma_wait3A_103 = arith.constant 0 : i32
        %dma_wait3A_104 = tpu.memref_slice %arg10[%dma_wait3A_102, %dma_wait3A_103] : memref<10000x128xf32, #tpu.memory_space<vmem_shared>> -> memref<10000x128xf32, #tpu.memory_space<vmem_shared>>
        tpu.wait_indirect_dma semaphore(%run_scoped3A_92 : memref<!tpu.dma_semaphore, #tpu.memory_space<semaphore_mem>>) src(%arg8 : memref<80x128xf32, #tpu.memory_space<vmem>>) dst(%dma_wait3A_104 : memref<10000x128xf32, #tpu.memory_space<vmem_shared>>)
        tpu.yield
      }) : () -> ()
      %mul3A_71 = arith.constant 2 : i32
      %mul3A_72 = arith.muli %mul3A_71, %scan3A_51 : i32
      %add3A_73 = arith.constant 2 : i32
      %add3A_74 = arith.addi %mul3A_72, %add3A_73 : i32
      %mul3A_75 = arith.constant 80 : i32
      %mul3A_76 = arith.muli %add3A_74, %mul3A_75 : i32
      %dma_start3A_77 = tpu.memref_slice %arg6[%mul3A_76] : memref<10000xi32, #tpu.memory_space<vmem>> -> memref<80xi32, #tpu.memory_space<vmem>>
      %dma_start3A_78 = arith.constant 0 : i32
      %dma_start3A_79 = arith.constant 0 : i32
      %dma_start3A_80 = tpu.memref_slice %arg4[%dma_start3A_78, %dma_start3A_79] : memref<320000x128xf32, #tpu.memory_space<hbm>> -> memref<320000x128xf32, #tpu.memory_space<hbm>>
      tpu.enqueue_indirect_dma source(%dma_start3A_80 : memref<320000x128xf32, #tpu.memory_space<hbm>>) target(%arg8 : memref<80x128xf32, #tpu.memory_space<vmem>>) offsets(%dma_start3A_77 : memref<80xi32, #tpu.memory_space<vmem>>) semaphore(%arg11 : memref<!tpu.dma_semaphore, #tpu.memory_space<semaphore_mem>>)
      %mul3A_81 = arith.constant 2 : i32
      %mul3A_82 = arith.muli %mul3A_81, %scan3A_51 : i32
      %add3A_83 = arith.constant 1 : i32
      %add3A_84 = arith.addi %mul3A_82, %add3A_83 : i32
      %mul3A_85 = arith.constant 80 : i32
      %mul3A_86 = arith.muli %add3A_84, %mul3A_85 : i32
      %dma_wait3A_87 = tpu.memref_slice %arg6[%mul3A_86] : memref<10000xi32, #tpu.memory_space<vmem>> -> memref<80xi32, #tpu.memory_space<vmem>>
      %dma_wait3A_88 = arith.constant 0 : i32
      %dma_wait3A_89 = arith.constant 0 : i32
      %dma_wait3A_90 = tpu.memref_slice %arg4[%dma_wait3A_88, %dma_wait3A_89] : memref<320000x128xf32, #tpu.memory_space<hbm>> -> memref<320000x128xf32, #tpu.memory_space<hbm>>
      tpu.wait_indirect_dma semaphore(%arg12 : memref<!tpu.dma_semaphore, #tpu.memory_space<semaphore_mem>>) src(%dma_wait3A_90 : memref<320000x128xf32, #tpu.memory_space<hbm>>) dst(%arg9 : memref<80x128xf32, #tpu.memory_space<vmem>>)
      "tpu.region"() ({
        %run_scoped3A_92 = tpu.sem_alloc : memref<!tpu.dma_semaphore, #tpu.memory_space<semaphore_mem>>
        %dma_start3A_93 = arith.constant 0 : i32
        %dma_start3A_94 = tpu.memref_slice %arg7[%add3A_84, %dma_start3A_93] : memref<125x80xi32, #tpu.memory_space<vmem>> -> memref<1x80xi32, #tpu.memory_space<vmem>>
        %dma_start3A_95 = tpu.memref_squeeze %dma_start3A_94 : memref<1x80xi32, #tpu.memory_space<vmem>> -> memref<80xi32, #tpu.memory_space<vmem>>
        %dma_start3A_96 = arith.constant 0 : i32
        %dma_start3A_97 = arith.constant 0 : i32
        %dma_start3A_98 = tpu.memref_slice %arg10[%dma_start3A_96, %dma_start3A_97] : memref<10000x128xf32, #tpu.memory_space<vmem_shared>> -> memref<10000x128xf32, #tpu.memory_space<vmem_shared>>
        tpu.enqueue_indirect_dma source(%arg9 : memref<80x128xf32, #tpu.memory_space<vmem>>) target(%dma_start3A_98 : memref<10000x128xf32, #tpu.memory_space<vmem_shared>>) offsets(%dma_start3A_95 : memref<80xi32, #tpu.memory_space<vmem>>) semaphore(%run_scoped3A_92 : memref<!tpu.dma_semaphore, #tpu.memory_space<semaphore_mem>>) {add = true}
        %dma_wait3A_99 = arith.constant 0 : i32
        %dma_wait3A_100 = tpu.memref_slice %arg7[%add3A_84, %dma_wait3A_99] : memref<125x80xi32, #tpu.memory_space<vmem>> -> memref<1x80xi32, #tpu.memory_space<vmem>>
        %dma_wait3A_101 = tpu.memref_squeeze %dma_wait3A_100 : memref<1x80xi32, #tpu.memory_space<vmem>> -> memref<80xi32, #tpu.memory_space<vmem>>
        %dma_wait3A_102 = arith.constant 0 : i32
        %dma_wait3A_103 = arith.constant 0 : i32
        %dma_wait3A_104 = tpu.memref_slice %arg10[%dma_wait3A_102, %dma_wait3A_103] : memref<10000x128xf32, #tpu.memory_space<vmem_shared>> -> memref<10000x128xf32, #tpu.memory_space<vmem_shared>>
        tpu.wait_indirect_dma semaphore(%run_scoped3A_92 : memref<!tpu.dma_semaphore, #tpu.memory_space<semaphore_mem>>) src(%arg9 : memref<80x128xf32, #tpu.memory_space<vmem>>) dst(%dma_wait3A_104 : memref<10000x128xf32, #tpu.memory_space<vmem_shared>>)
        tpu.yield
      }) : () -> ()
      %scan3A_91 = arith.constant 0 : i32
      scf.yield %scan3A_91 : i32
    }
    %scan3A_37 = arith.constant 62 : i32
    %dma_wait3A = arith.constant 9920 : i32
    %dma_wait3A_38 = tpu.memref_slice %arg6[%dma_wait3A] : memref<10000xi32, #tpu.memory_space<vmem>> -> memref<80xi32, #tpu.memory_space<vmem>>
    %dma_wait3A_39 = arith.constant 0 : i32
    %dma_wait3A_40 = arith.constant 0 : i32
    %dma_wait3A_41 = tpu.memref_slice %arg4[%dma_wait3A_39, %dma_wait3A_40] : memref<320000x128xf32, #tpu.memory_space<hbm>> -> memref<320000x128xf32, #tpu.memory_space<hbm>>
    tpu.wait_indirect_dma semaphore(%arg11 : memref<!tpu.dma_semaphore, #tpu.memory_space<semaphore_mem>>) src(%dma_wait3A_41 : memref<320000x128xf32, #tpu.memory_space<hbm>>) dst(%arg8 : memref<80x128xf32, #tpu.memory_space<vmem>>)
    %run_scoped3A = arith.constant 124 : i32
    "tpu.region"() ({
      %run_scoped3A_51 = tpu.sem_alloc : memref<!tpu.dma_semaphore, #tpu.memory_space<semaphore_mem>>
      %dma_start3A_52 = arith.constant 0 : i32
      %dma_start3A_53 = tpu.memref_slice %arg7[%run_scoped3A, %dma_start3A_52] : memref<125x80xi32, #tpu.memory_space<vmem>> -> memref<1x80xi32, #tpu.memory_space<vmem>>
      %dma_start3A_54 = tpu.memref_squeeze %dma_start3A_53 : memref<1x80xi32, #tpu.memory_space<vmem>> -> memref<80xi32, #tpu.memory_space<vmem>>
      %dma_start3A_55 = arith.constant 0 : i32
      %dma_start3A_56 = arith.constant 0 : i32
      %dma_start3A_57 = tpu.memref_slice %arg10[%dma_start3A_55, %dma_start3A_56] : memref<10000x128xf32, #tpu.memory_space<vmem_shared>> -> memref<10000x128xf32, #tpu.memory_space<vmem_shared>>
      tpu.enqueue_indirect_dma source(%arg8 : memref<80x128xf32, #tpu.memory_space<vmem>>) target(%dma_start3A_57 : memref<10000x128xf32, #tpu.memory_space<vmem_shared>>) offsets(%dma_start3A_54 : memref<80xi32, #tpu.memory_space<vmem>>) semaphore(%run_scoped3A_51 : memref<!tpu.dma_semaphore, #tpu.memory_space<semaphore_mem>>) {add = true}
      %dma_wait3A_58 = arith.constant 0 : i32
      %dma_wait3A_59 = tpu.memref_slice %arg7[%run_scoped3A, %dma_wait3A_58] : memref<125x80xi32, #tpu.memory_space<vmem>> -> memref<1x80xi32, #tpu.memory_space<vmem>>
      %dma_wait3A_60 = tpu.memref_squeeze %dma_wait3A_59 : memref<1x80xi32, #tpu.memory_space<vmem>> -> memref<80xi32, #tpu.memory_space<vmem>>
      %dma_wait3A_61 = arith.constant 0 : i32
      %dma_wait3A_62 = arith.constant 0 : i32
      %dma_wait3A_63 = tpu.memref_slice %arg10[%dma_wait3A_61, %dma_wait3A_62] : memref<10000x128xf32, #tpu.memory_space<vmem_shared>> -> memref<10000x128xf32, #tpu.memory_space<vmem_shared>>
      tpu.wait_indirect_dma semaphore(%run_scoped3A_51 : memref<!tpu.dma_semaphore, #tpu.memory_space<semaphore_mem>>) src(%arg8 : memref<80x128xf32, #tpu.memory_space<vmem>>) dst(%dma_wait3A_63 : memref<10000x128xf32, #tpu.memory_space<vmem_shared>>)
      tpu.yield
    }) : () -> ()
    %barrier3A_42 = arith.constant 0 : index
    tpu.barrier barrier_id(%barrier3A_42)
    %mul3A_43 = arith.constant 10000 : i32
    %mul3A_44 = arith.muli %arg0, %mul3A_43 : i32
    %add3A_45 = arith.addi %mul3A_44, %mul3A_8 : i32
    "tpu.region"() ({
      %run_scoped3A_51 = tpu.sem_alloc : memref<!tpu.dma_semaphore, #tpu.memory_space<semaphore_mem>>
      %dma_start3A_52 = arith.constant 0 : i32
      %dma_start3A_53 = tpu.memref_slice %arg5[%add3A_45, %dma_start3A_52] : memref<20000x128xf32, #tpu.memory_space<hbm>> -> memref<624x128xf32, #tpu.memory_space<hbm>>
      %dma_start3A_54 = arith.constant 0 : i32
      %dma_start3A_55 = tpu.memref_slice %arg10[%mul3A_8, %dma_start3A_54] : memref<10000x128xf32, #tpu.memory_space<vmem_shared>> -> memref<624x128xf32, #tpu.memory_space<vmem_shared>>
      tpu.enqueue_dma source(%dma_start3A_55 : memref<624x128xf32, #tpu.memory_space<vmem_shared>>) target(%dma_start3A_53 : memref<624x128xf32, #tpu.memory_space<hbm>>) target_semaphore(%run_scoped3A_51 : memref<!tpu.dma_semaphore, #tpu.memory_space<semaphore_mem>>)
      %dma_wait3A_56 = arith.constant 0 : i32
      %dma_wait3A_57 = tpu.memref_slice %arg5[%add3A_45, %dma_wait3A_56] : memref<20000x128xf32, #tpu.memory_space<hbm>> -> memref<624x128xf32, #tpu.memory_space<hbm>>
      %dma_wait3A_58 = arith.constant 0 : i32
      %dma_wait3A_59 = tpu.memref_slice %arg10[%mul3A_8, %dma_wait3A_58] : memref<10000x128xf32, #tpu.memory_space<vmem_shared>> -> memref<624x128xf32, #tpu.memory_space<vmem_shared>>
      tpu.wait_dma2 semaphore(%run_scoped3A_51 : memref<!tpu.dma_semaphore, #tpu.memory_space<semaphore_mem>>) src(%dma_wait3A_59 : memref<624x128xf32, #tpu.memory_space<vmem_shared>>) dst(%dma_wait3A_57 : memref<624x128xf32, #tpu.memory_space<hbm>>)
      tpu.yield
    }) : () -> ()
    %eq3A_46 = arith.constant 15 : i32
    %eq3A_47 = arith.cmpi eq, %arg1, %eq3A_46 : i32
    %convert_element_type3A_48 = arith.extui %eq3A_47 : i1 to i32
    %cond3A_49 = arith.constant 0 : i32
    %cond3A_50 = arith.cmpi ne, %convert_element_type3A_48, %cond3A_49 : i32
    scf.if %cond3A_50 {
      %mul3A_51 = arith.constant 10000 : i32
      %mul3A_52 = arith.muli %arg0, %mul3A_51 : i32
      %add3A_53 = arith.constant 9984 : i32
      %add3A_54 = arith.addi %mul3A_52, %add3A_53 : i32
      "tpu.region"() ({
        %run_scoped3A_55 = tpu.sem_alloc : memref<!tpu.dma_semaphore, #tpu.memory_space<semaphore_mem>>
        %dma_start3A_56 = arith.constant 0 : i32
        %dma_start3A_57 = tpu.memref_slice %arg5[%add3A_54, %dma_start3A_56] : memref<20000x128xf32, #tpu.memory_space<hbm>> -> memref<16x128xf32, #tpu.memory_space<hbm>>
        %dma_start3A_58 = arith.constant 9984 : i32
        %dma_start3A_59 = arith.constant 0 : i32
        %dma_start3A_60 = tpu.memref_slice %arg10[%dma_start3A_58, %dma_start3A_59] : memref<10000x128xf32, #tpu.memory_space<vmem_shared>> -> memref<16x128xf32, #tpu.memory_space<vmem_shared>>
        tpu.enqueue_dma source(%dma_start3A_60 : memref<16x128xf32, #tpu.memory_space<vmem_shared>>) target(%dma_start3A_57 : memref<16x128xf32, #tpu.memory_space<hbm>>) target_semaphore(%run_scoped3A_55 : memref<!tpu.dma_semaphore, #tpu.memory_space<semaphore_mem>>)
        %dma_wait3A_61 = arith.constant 0 : i32
        %dma_wait3A_62 = tpu.memref_slice %arg5[%add3A_54, %dma_wait3A_61] : memref<20000x128xf32, #tpu.memory_space<hbm>> -> memref<16x128xf32, #tpu.memory_space<hbm>>
        %dma_wait3A_63 = arith.constant 9984 : i32
        %dma_wait3A_64 = arith.constant 0 : i32
        %dma_wait3A_65 = tpu.memref_slice %arg10[%dma_wait3A_63, %dma_wait3A_64] : memref<10000x128xf32, #tpu.memory_space<vmem_shared>> -> memref<16x128xf32, #tpu.memory_space<vmem_shared>>
        tpu.wait_dma2 semaphore(%run_scoped3A_55 : memref<!tpu.dma_semaphore, #tpu.memory_space<semaphore_mem>>) src(%dma_wait3A_65 : memref<16x128xf32, #tpu.memory_space<vmem_shared>>) dst(%dma_wait3A_62 : memref<16x128xf32, #tpu.memory_space<hbm>>)
        tpu.yield
      }) : () -> ()
    } else {
    }
    return
  }
}

module attributes {stable_mosaic.version = 14 : i64} {
  func.func @_tc_rot_body(%arg0: i32, %arg1: i32, %arg2: memref<400x128xf32, #tpu.memory_space<vmem>>, %arg3: memref<32x128xf32, #tpu.memory_space<vmem>>, %arg4: memref<400x128xf32, #tpu.memory_space<vmem>>) attributes {dimension_semantics = [#tpu.dimension_semantics<arbitrary>, #tpu.dimension_semantics<arbitrary>], iteration_bounds = array<i64: 25, 32>, scalar_prefetch = 0 : i64, scratch_operands = 0 : i64, tpu.core_type = #tpu.core_type<tc>, window_params = [{transform_indices = @transform_0, window_bounds = array<i64: 400, 128>}, {pipeline_mode = #tpu.pipeline_mode<synchronous>, transform_indices = @transform_1, window_bounds = array<i64: 32, 128>}, {transform_indices = @transform_2, window_bounds = array<i64: 400, 128>}]} {
    %get3A = arith.constant 0 : index
    %get3A_0 = arith.constant 0 : index
    %get3A_1 = vector.load %arg2[%get3A, %get3A_0] : memref<400x128xf32, #tpu.memory_space<vmem>>, vector<400x128xf32>
    %iota3A = tpu.iota {dimensions = array<i32: 0>} : vector<32x1xi32>
    %eq3A = vector.broadcast %arg1 : i32 to vector<32x1xi32>
    %eq3A_2 = arith.cmpi eq, %iota3A, %eq3A : vector<32x1xi32>
    %convert_element_type3A = arith.extui %eq3A_2 : vector<32x1xi1> to vector<32x1xi32>
    %convert_element_type3A_3 = arith.sitofp %convert_element_type3A : vector<32x1xi32> to vector<32x1xf32>
    %get3A_4 = arith.constant 0 : index
    %get3A_5 = arith.constant 0 : index
    %get3A_6 = vector.load %arg3[%get3A_4, %get3A_5] : memref<32x128xf32, #tpu.memory_space<vmem>>, vector<32x128xf32>
    %mul3A = vector.broadcast %convert_element_type3A_3 : vector<32x1xf32> to vector<32x128xf32>
    %mul3A_7 = arith.mulf %get3A_6, %mul3A : vector<32x128xf32>
    %reduce_sum3A = arith.constant dense<0.000000e+00> : vector<128xf32>
    %reduce_sum3A_8 = vector.multi_reduction <add>, %mul3A_7, %reduce_sum3A [0] : vector<32x128xf32> to vector<128xf32>
    %broadcast_in_dim3A = vector.shape_cast %reduce_sum3A_8 : vector<128xf32> to vector<1x128xf32>
    %slice3A = vector.extract_strided_slice %get3A_1 {offsets = [0, 0], sizes = [400, 64], strides = [1, 1]} : vector<400x128xf32> to vector<400x64xf32>
    %slice3A_9 = vector.extract_strided_slice %get3A_1 {offsets = [0, 64], sizes = [400, 64], strides = [1, 1]} : vector<400x128xf32> to vector<400x64xf32>
    %slice3A_10 = vector.extract_strided_slice %broadcast_in_dim3A {offsets = [0, 0], sizes = [1, 64], strides = [1, 1]} : vector<1x128xf32> to vector<1x64xf32>
    %slice3A_11 = vector.extract_strided_slice %broadcast_in_dim3A {offsets = [0, 64], sizes = [1, 64], strides = [1, 1]} : vector<1x128xf32> to vector<1x64xf32>
    %mul3A_12 = vector.broadcast %slice3A_10 : vector<1x64xf32> to vector<400x64xf32>
    %mul3A_13 = arith.mulf %slice3A, %mul3A_12 : vector<400x64xf32>
    %mul3A_14 = vector.broadcast %slice3A_11 : vector<1x64xf32> to vector<400x64xf32>
    %mul3A_15 = arith.mulf %slice3A_9, %mul3A_14 : vector<400x64xf32>
    %sub3A = arith.subf %mul3A_13, %mul3A_15 : vector<400x64xf32>
    %swap3A = arith.constant 0 : index
    %swap3A_16 = arith.constant 0 : index
    %swap3A_17 = vector.load %arg4[%swap3A, %swap3A_16] : memref<400x128xf32, #tpu.memory_space<vmem>>, vector<400x64xf32>
    tpu.vector_store %arg4[%swap3A, %swap3A_16], %sub3A {strides = array<i32>} : memref<400x128xf32, #tpu.memory_space<vmem>>, vector<400x64xf32>,
    %mul3A_18 = vector.broadcast %slice3A_11 : vector<1x64xf32> to vector<400x64xf32>
    %mul3A_19 = arith.mulf %slice3A, %mul3A_18 : vector<400x64xf32>
    %mul3A_20 = vector.broadcast %slice3A_10 : vector<1x64xf32> to vector<400x64xf32>
    %mul3A_21 = arith.mulf %slice3A_9, %mul3A_20 : vector<400x64xf32>
    %add3A = arith.addf %mul3A_19, %mul3A_21 : vector<400x64xf32>
    %swap3A_22 = arith.constant 0 : index
    %swap3A_23 = arith.constant 64 : index
    %swap3A_24 = vector.load %arg4[%swap3A_22, %swap3A_23] : memref<400x128xf32, #tpu.memory_space<vmem>>, vector<400x64xf32>
    tpu.vector_store %arg4[%swap3A_22, %swap3A_23], %add3A {strides = array<i32>} : memref<400x128xf32, #tpu.memory_space<vmem>>, vector<400x64xf32>,
    return
  }
  func.func @transform_0(%arg0: i32, %arg1: i32) -> (i32, i32) {
    %c0_i32 = arith.constant 0 : i32
    %c0_i32_0 = arith.constant 0 : i32
    return %arg0, %c0_i32 : i32, i32
  }
  func.func @transform_1(%arg0: i32, %arg1: i32) -> (i32, i32) {
    %c0_i32 = arith.constant 0 : i32
    %c0_i32_0 = arith.constant 0 : i32
    %c0_i32_1 = arith.constant 0 : i32
    return %c0_i32, %c0_i32_0 : i32, i32
  }
  func.func @transform_2(%arg0: i32, %arg1: i32) -> (i32, i32) {
    %mul3A = arith.constant 25 : i32
    %mul3A_0 = arith.muli %arg1, %mul3A : i32
    %add3A = arith.addi %mul3A_0, %arg0 : i32
    %c0_i32 = arith.constant 0 : i32
    %c0_i32_1 = arith.constant 0 : i32
    return %add3A, %c0_i32 : i32, i32
  }
}

module attributes {stable_mosaic.version = 14 : i64} {
  func.func @_tc_convrot_body(%arg0: i32, %arg1: i32, %arg2: memref<400x128xf32, #tpu.memory_space<vmem>>, %arg3: memref<400x128xf32, #tpu.memory_space<vmem>>, %arg4: memref<128x128xf32, #tpu.memory_space<vmem>>, %arg5: memref<1x128xf32, #tpu.memory_space<vmem>>, %arg6: memref<32x128xf32, #tpu.memory_space<vmem>>, %arg7: memref<400x128xf32, #tpu.memory_space<vmem>>, %arg8: memref<400x128xf32, #tpu.memory_space<vmem>>) attributes {dimension_semantics = [#tpu.dimension_semantics<arbitrary>, #tpu.dimension_semantics<arbitrary>], iteration_bounds = array<i64: 25, 32>, scalar_prefetch = 0 : i64, scratch_operands = 1 : i64, tpu.core_type = #tpu.core_type<tc>, window_params = [{transform_indices = @transform_0, window_bounds = array<i64: 400, 128>}, {transform_indices = @transform_1, window_bounds = array<i64: 400, 128>}, {pipeline_mode = #tpu.pipeline_mode<synchronous>, transform_indices = @transform_2, window_bounds = array<i64: 128, 128>}, {pipeline_mode = #tpu.pipeline_mode<synchronous>, transform_indices = @transform_3, window_bounds = array<i64: 1, 128>}, {pipeline_mode = #tpu.pipeline_mode<synchronous>, transform_indices = @transform_4, window_bounds = array<i64: 32, 128>}, {transform_indices = @transform_5, window_bounds = array<i64: 400, 128>}]} {
    %eq3A = arith.constant 0 : i32
    %eq3A_0 = arith.cmpi eq, %arg1, %eq3A : i32
    %convert_element_type3A = arith.extui %eq3A_0 : i1 to i32
    %cond3A = arith.constant 0 : i32
    %cond3A_1 = arith.cmpi ne, %convert_element_type3A, %cond3A : i32
    scf.if %cond3A_1 {
      %get3A_29 = arith.constant 0 : index
      %get3A_30 = arith.constant 0 : index
      %get3A_31 = vector.load %arg2[%get3A_29, %get3A_30] : memref<400x128xf32, #tpu.memory_space<vmem>>, vector<400x128xf32>
      %get3A_32 = arith.constant 0 : index
      %get3A_33 = arith.constant 0 : index
      %get3A_34 = vector.load %arg3[%get3A_32, %get3A_33] : memref<400x128xf32, #tpu.memory_space<vmem>>, vector<400x128xf32>
      %add3A_35 = arith.addf %get3A_31, %get3A_34 : vector<400x128xf32>
      %get3A_36 = arith.constant 0 : index
      %get3A_37 = arith.constant 0 : index
      %get3A_38 = vector.load %arg4[%get3A_36, %get3A_37] : memref<128x128xf32, #tpu.memory_space<vmem>>, vector<128x128xf32>
      %dot_general3A = arith.constant dense<0.000000e+00> : vector<400x128xf32>
      %dot_general3A_39 = tpu.matmul %add3A_35, %get3A_38, %dot_general3A {dimension_numbers = #tpu.dot_dimension_numbers<[1], [0], [0], [1], [0, 0, 1, 1], [], []>, transpose_lhs_hint = false} : vector<400x128xf32>, vector<128x128xf32>, vector<400x128xf32> -> vector<400x128xf32>
      %get3A_40 = arith.constant 0 : index
      %get3A_41 = arith.constant 0 : index
      %get3A_42 = vector.load %arg5[%get3A_40, %get3A_41] : memref<1x128xf32, #tpu.memory_space<vmem>>, vector<1x128xf32>
      %add3A_43 = vector.broadcast %get3A_42 : vector<1x128xf32> to vector<400x128xf32>
      %add3A_44 = arith.addf %dot_general3A_39, %add3A_43 : vector<400x128xf32>
      %max3A = arith.constant 0.000000e+00 : f32
      %max3A_45 = vector.broadcast %max3A : f32 to vector<400x128xf32>
      %max3A_46 = arith.maximumf %add3A_44, %max3A_45 : vector<400x128xf32>
      %swap3A_47 = arith.constant 0 : index
      %swap3A_48 = arith.constant 0 : index
      %swap3A_49 = vector.load %arg8[%swap3A_47, %swap3A_48] : memref<400x128xf32, #tpu.memory_space<vmem>>, vector<400x128xf32>
      tpu.vector_store %arg8[%swap3A_47, %swap3A_48], %max3A_46 {strides = array<i32>} : memref<400x128xf32, #tpu.memory_space<vmem>>, vector<400x128xf32>,
    } else {
    }
    %get3A = arith.constant 0 : index
    %get3A_2 = arith.constant 0 : index
    %get3A_3 = vector.load %arg8[%get3A, %get3A_2] : memref<400x128xf32, #tpu.memory_space<vmem>>, vector<400x128xf32>
    %iota3A = tpu.iota {dimensions = array<i32: 0>} : vector<32x1xi32>
    %eq3A_4 = vector.broadcast %arg1 : i32 to vector<32x1xi32>
    %eq3A_5 = arith.cmpi eq, %iota3A, %eq3A_4 : vector<32x1xi32>
    %convert_element_type3A_6 = arith.extui %eq3A_5 : vector<32x1xi1> to vector<32x1xi32>
    %convert_element_type3A_7 = arith.sitofp %convert_element_type3A_6 : vector<32x1xi32> to vector<32x1xf32>
    %get3A_8 = arith.constant 0 : index
    %get3A_9 = arith.constant 0 : index
    %get3A_10 = vector.load %arg6[%get3A_8, %get3A_9] : memref<32x128xf32, #tpu.memory_space<vmem>>, vector<32x128xf32>
    %mul3A = vector.broadcast %convert_element_type3A_7 : vector<32x1xf32> to vector<32x128xf32>
    %mul3A_11 = arith.mulf %get3A_10, %mul3A : vector<32x128xf32>
    %reduce_sum3A = arith.constant dense<0.000000e+00> : vector<128xf32>
    %reduce_sum3A_12 = vector.multi_reduction <add>, %mul3A_11, %reduce_sum3A [0] : vector<32x128xf32> to vector<128xf32>
    %broadcast_in_dim3A = vector.shape_cast %reduce_sum3A_12 : vector<128xf32> to vector<1x128xf32>
    %slice3A = vector.extract_strided_slice %get3A_3 {offsets = [0, 0], sizes = [400, 64], strides = [1, 1]} : vector<400x128xf32> to vector<400x64xf32>
    %slice3A_13 = vector.extract_strided_slice %get3A_3 {offsets = [0, 64], sizes = [400, 64], strides = [1, 1]} : vector<400x128xf32> to vector<400x64xf32>
    %slice3A_14 = vector.extract_strided_slice %broadcast_in_dim3A {offsets = [0, 0], sizes = [1, 64], strides = [1, 1]} : vector<1x128xf32> to vector<1x64xf32>
    %slice3A_15 = vector.extract_strided_slice %broadcast_in_dim3A {offsets = [0, 64], sizes = [1, 64], strides = [1, 1]} : vector<1x128xf32> to vector<1x64xf32>
    %mul3A_16 = vector.broadcast %slice3A_14 : vector<1x64xf32> to vector<400x64xf32>
    %mul3A_17 = arith.mulf %slice3A, %mul3A_16 : vector<400x64xf32>
    %mul3A_18 = vector.broadcast %slice3A_15 : vector<1x64xf32> to vector<400x64xf32>
    %mul3A_19 = arith.mulf %slice3A_13, %mul3A_18 : vector<400x64xf32>
    %sub3A = arith.subf %mul3A_17, %mul3A_19 : vector<400x64xf32>
    %swap3A = arith.constant 0 : index
    %swap3A_20 = arith.constant 0 : index
    %swap3A_21 = vector.load %arg7[%swap3A, %swap3A_20] : memref<400x128xf32, #tpu.memory_space<vmem>>, vector<400x64xf32>
    tpu.vector_store %arg7[%swap3A, %swap3A_20], %sub3A {strides = array<i32>} : memref<400x128xf32, #tpu.memory_space<vmem>>, vector<400x64xf32>,
    %mul3A_22 = vector.broadcast %slice3A_15 : vector<1x64xf32> to vector<400x64xf32>
    %mul3A_23 = arith.mulf %slice3A, %mul3A_22 : vector<400x64xf32>
    %mul3A_24 = vector.broadcast %slice3A_14 : vector<1x64xf32> to vector<400x64xf32>
    %mul3A_25 = arith.mulf %slice3A_13, %mul3A_24 : vector<400x64xf32>
    %add3A = arith.addf %mul3A_23, %mul3A_25 : vector<400x64xf32>
    %swap3A_26 = arith.constant 0 : index
    %swap3A_27 = arith.constant 64 : index
    %swap3A_28 = vector.load %arg7[%swap3A_26, %swap3A_27] : memref<400x128xf32, #tpu.memory_space<vmem>>, vector<400x64xf32>
    tpu.vector_store %arg7[%swap3A_26, %swap3A_27], %add3A {strides = array<i32>} : memref<400x128xf32, #tpu.memory_space<vmem>>, vector<400x64xf32>,
    return
  }
  func.func @transform_0(%arg0: i32, %arg1: i32) -> (i32, i32) {
    %c0_i32 = arith.constant 0 : i32
    %c0_i32_0 = arith.constant 0 : i32
    return %arg0, %c0_i32 : i32, i32
  }
  func.func @transform_1(%arg0: i32, %arg1: i32) -> (i32, i32) {
    %add3A = arith.constant 25 : i32
    %add3A_0 = arith.addi %add3A, %arg0 : i32
    %c0_i32 = arith.constant 0 : i32
    %c0_i32_1 = arith.constant 0 : i32
    return %add3A_0, %c0_i32 : i32, i32
  }
  func.func @transform_2(%arg0: i32, %arg1: i32) -> (i32, i32) {
    %c0_i32 = arith.constant 0 : i32
    %c0_i32_0 = arith.constant 0 : i32
    %c0_i32_1 = arith.constant 0 : i32
    return %c0_i32, %c0_i32_0 : i32, i32
  }
  func.func @transform_3(%arg0: i32, %arg1: i32) -> (i32, i32) {
    %c0_i32 = arith.constant 0 : i32
    %c0_i32_0 = arith.constant 0 : i32
    %c0_i32_1 = arith.constant 0 : i32
    return %c0_i32, %c0_i32_0 : i32, i32
  }
  func.func @transform_4(%arg0: i32, %arg1: i32) -> (i32, i32) {
    %c0_i32 = arith.constant 0 : i32
    %c0_i32_0 = arith.constant 0 : i32
    %c0_i32_1 = arith.constant 0 : i32
    return %c0_i32, %c0_i32_0 : i32, i32
  }
  func.func @transform_5(%arg0: i32, %arg1: i32) -> (i32, i32) {
    %mul3A = arith.constant 25 : i32
    %mul3A_0 = arith.muli %arg1, %mul3A : i32
    %add3A = arith.addi %mul3A_0, %arg0 : i32
    %c0_i32 = arith.constant 0 : i32
    %c0_i32_1 = arith.constant 0 : i32
    return %add3A, %c0_i32 : i32, i32
  }
}

module attributes {stable_mosaic.version = 14 : i64} {
  func.func @_tc_head_body(%arg0: i32, %arg1: memref<400x128xf32, #tpu.memory_space<vmem>>, %arg2: memref<400x128xf32, #tpu.memory_space<vmem>>, %arg3: memref<128x128xf32, #tpu.memory_space<vmem>>, %arg4: memref<1x128xf32, #tpu.memory_space<vmem>>, %arg5: memref<128x128xf32, #tpu.memory_space<vmem>>, %arg6: memref<1x128xf32, #tpu.memory_space<vmem>>, %arg7: memref<128x128xf32, #tpu.memory_space<vmem>>, %arg8: memref<1x128xf32, #tpu.memory_space<vmem>>, %arg9: memref<128x6xf32, #tpu.memory_space<vmem>>, %arg10: memref<1x6xf32, #tpu.memory_space<vmem>>, %arg11: memref<400x5xf32, #tpu.memory_space<vmem>>) attributes {dimension_semantics = [#tpu.dimension_semantics<arbitrary>], iteration_bounds = array<i64: 25>, scalar_prefetch = 0 : i64, scratch_operands = 0 : i64, tpu.core_type = #tpu.core_type<tc>, window_params = [{transform_indices = @transform_0, window_bounds = array<i64: 400, 128>}, {transform_indices = @transform_1, window_bounds = array<i64: 400, 128>}, {pipeline_mode = #tpu.pipeline_mode<synchronous>, transform_indices = @transform_2, window_bounds = array<i64: 128, 128>}, {pipeline_mode = #tpu.pipeline_mode<synchronous>, transform_indices = @transform_3, window_bounds = array<i64: 1, 128>}, {pipeline_mode = #tpu.pipeline_mode<synchronous>, transform_indices = @transform_4, window_bounds = array<i64: 128, 128>}, {pipeline_mode = #tpu.pipeline_mode<synchronous>, transform_indices = @transform_5, window_bounds = array<i64: 1, 128>}, {pipeline_mode = #tpu.pipeline_mode<synchronous>, transform_indices = @transform_6, window_bounds = array<i64: 128, 128>}, {pipeline_mode = #tpu.pipeline_mode<synchronous>, transform_indices = @transform_7, window_bounds = array<i64: 1, 128>}, {pipeline_mode = #tpu.pipeline_mode<synchronous>, transform_indices = @transform_8, window_bounds = array<i64: 128, 6>}, {pipeline_mode = #tpu.pipeline_mode<synchronous>, transform_indices = @transform_9, window_bounds = array<i64: 1, 6>}, {transform_indices = @transform_10, window_bounds = array<i64: 400, 5>}]} {
    %get3A = arith.constant 0 : index
    %get3A_0 = arith.constant 0 : index
    %get3A_1 = vector.load %arg1[%get3A, %get3A_0] : memref<400x128xf32, #tpu.memory_space<vmem>>, vector<400x128xf32>
    %get3A_2 = arith.constant 0 : index
    %get3A_3 = arith.constant 0 : index
    %get3A_4 = vector.load %arg2[%get3A_2, %get3A_3] : memref<400x128xf32, #tpu.memory_space<vmem>>, vector<400x128xf32>
    %add3A = arith.addf %get3A_1, %get3A_4 : vector<400x128xf32>
    %get3A_5 = arith.constant 0 : index
    %get3A_6 = arith.constant 0 : index
    %get3A_7 = vector.load %arg3[%get3A_5, %get3A_6] : memref<128x128xf32, #tpu.memory_space<vmem>>, vector<128x128xf32>
    %dot_general3A = arith.constant dense<0.000000e+00> : vector<400x128xf32>
    %dot_general3A_8 = tpu.matmul %add3A, %get3A_7, %dot_general3A {dimension_numbers = #tpu.dot_dimension_numbers<[1], [0], [0], [1], [0, 0, 1, 1], [], []>, transpose_lhs_hint = false} : vector<400x128xf32>, vector<128x128xf32>, vector<400x128xf32> -> vector<400x128xf32>
    %get3A_9 = arith.constant 0 : index
    %get3A_10 = arith.constant 0 : index
    %get3A_11 = vector.load %arg4[%get3A_9, %get3A_10] : memref<1x128xf32, #tpu.memory_space<vmem>>, vector<1x128xf32>
    %add3A_12 = vector.broadcast %get3A_11 : vector<1x128xf32> to vector<400x128xf32>
    %add3A_13 = arith.addf %dot_general3A_8, %add3A_12 : vector<400x128xf32>
    %max3A = arith.constant 0.000000e+00 : f32
    %max3A_14 = vector.broadcast %max3A : f32 to vector<400x128xf32>
    %max3A_15 = arith.maximumf %add3A_13, %max3A_14 : vector<400x128xf32>
    %get3A_16 = arith.constant 0 : index
    %get3A_17 = arith.constant 0 : index
    %get3A_18 = vector.load %arg5[%get3A_16, %get3A_17] : memref<128x128xf32, #tpu.memory_space<vmem>>, vector<128x128xf32>
    %dot_general3A_19 = arith.constant dense<0.000000e+00> : vector<400x128xf32>
    %dot_general3A_20 = tpu.matmul %max3A_15, %get3A_18, %dot_general3A_19 {dimension_numbers = #tpu.dot_dimension_numbers<[1], [0], [0], [1], [0, 0, 1, 1], [], []>, transpose_lhs_hint = false} : vector<400x128xf32>, vector<128x128xf32>, vector<400x128xf32> -> vector<400x128xf32>
    %get3A_21 = arith.constant 0 : index
    %get3A_22 = arith.constant 0 : index
    %get3A_23 = vector.load %arg6[%get3A_21, %get3A_22] : memref<1x128xf32, #tpu.memory_space<vmem>>, vector<1x128xf32>
    %add3A_24 = vector.broadcast %get3A_23 : vector<1x128xf32> to vector<400x128xf32>
    %add3A_25 = arith.addf %dot_general3A_20, %add3A_24 : vector<400x128xf32>
    %max3A_26 = arith.constant 0.000000e+00 : f32
    %max3A_27 = vector.broadcast %max3A_26 : f32 to vector<400x128xf32>
    %max3A_28 = arith.maximumf %add3A_25, %max3A_27 : vector<400x128xf32>
    %get3A_29 = arith.constant 0 : index
    %get3A_30 = arith.constant 0 : index
    %get3A_31 = vector.load %arg7[%get3A_29, %get3A_30] : memref<128x128xf32, #tpu.memory_space<vmem>>, vector<128x128xf32>
    %dot_general3A_32 = arith.constant dense<0.000000e+00> : vector<400x128xf32>
    %dot_general3A_33 = tpu.matmul %max3A_28, %get3A_31, %dot_general3A_32 {dimension_numbers = #tpu.dot_dimension_numbers<[1], [0], [0], [1], [0, 0, 1, 1], [], []>, transpose_lhs_hint = false} : vector<400x128xf32>, vector<128x128xf32>, vector<400x128xf32> -> vector<400x128xf32>
    %get3A_34 = arith.constant 0 : index
    %get3A_35 = arith.constant 0 : index
    %get3A_36 = vector.load %arg8[%get3A_34, %get3A_35] : memref<1x128xf32, #tpu.memory_space<vmem>>, vector<1x128xf32>
    %add3A_37 = vector.broadcast %get3A_36 : vector<1x128xf32> to vector<400x128xf32>
    %add3A_38 = arith.addf %dot_general3A_33, %add3A_37 : vector<400x128xf32>
    %max3A_39 = arith.constant 0.000000e+00 : f32
    %max3A_40 = vector.broadcast %max3A_39 : f32 to vector<400x128xf32>
    %max3A_41 = arith.maximumf %add3A_38, %max3A_40 : vector<400x128xf32>
    %get3A_42 = arith.constant 0 : index
    %get3A_43 = arith.constant 0 : index
    %get3A_44 = vector.load %arg9[%get3A_42, %get3A_43] : memref<128x6xf32, #tpu.memory_space<vmem>>, vector<128x6xf32>
    %dot_general3A_45 = arith.constant dense<0.000000e+00> : vector<400x6xf32>
    %dot_general3A_46 = tpu.matmul %max3A_41, %get3A_44, %dot_general3A_45 {dimension_numbers = #tpu.dot_dimension_numbers<[1], [0], [0], [1], [0, 0, 1, 1], [], []>, transpose_lhs_hint = false} : vector<400x128xf32>, vector<128x6xf32>, vector<400x6xf32> -> vector<400x6xf32>
    %get3A_47 = arith.constant 0 : index
    %get3A_48 = arith.constant 0 : index
    %get3A_49 = vector.load %arg10[%get3A_47, %get3A_48] : memref<1x6xf32, #tpu.memory_space<vmem>>, vector<1x6xf32>
    %add3A_50 = vector.broadcast %get3A_49 : vector<1x6xf32> to vector<400x6xf32>
    %add3A_51 = arith.addf %dot_general3A_46, %add3A_50 : vector<400x6xf32>
    %slice3A = vector.extract_strided_slice %add3A_51 {offsets = [0, 0], sizes = [400, 5], strides = [1, 1]} : vector<400x6xf32> to vector<400x5xf32>
    %slice3A_52 = vector.extract_strided_slice %add3A_51 {offsets = [0, 5], sizes = [400, 1], strides = [1, 1]} : vector<400x6xf32> to vector<400x1xf32>
    %add3A_53 = vector.broadcast %slice3A_52 : vector<400x1xf32> to vector<400x5xf32>
    %add3A_54 = arith.addf %add3A_53, %slice3A : vector<400x5xf32>
    %reduce_sum3A = arith.constant dense<0.000000e+00> : vector<400xf32>
    %reduce_sum3A_55 = vector.multi_reduction <add>, %slice3A, %reduce_sum3A [1] : vector<400x5xf32> to vector<400xf32>
    %broadcast_in_dim3A = vector.shape_cast %reduce_sum3A_55 : vector<400xf32> to vector<400x1xf32>
    %div3A = arith.constant 5.000000e+00 : f32
    %div3A_56 = vector.broadcast %div3A : f32 to vector<400x1xf32>
    %div3A_57 = arith.divf %broadcast_in_dim3A, %div3A_56 : vector<400x1xf32>
    %sub3A = vector.broadcast %div3A_57 : vector<400x1xf32> to vector<400x5xf32>
    %sub3A_58 = arith.subf %add3A_54, %sub3A : vector<400x5xf32>
    %swap3A = arith.constant 0 : index
    %swap3A_59 = arith.constant 0 : index
    %swap3A_60 = vector.load %arg11[%swap3A, %swap3A_59] : memref<400x5xf32, #tpu.memory_space<vmem>>, vector<400x5xf32>
    tpu.vector_store %arg11[%swap3A, %swap3A_59], %sub3A_58 {strides = array<i32>} : memref<400x5xf32, #tpu.memory_space<vmem>>, vector<400x5xf32>,
    return
  }
  func.func @transform_0(%arg0: i32) -> (i32, i32) {
    %c0_i32 = arith.constant 0 : i32
    %c0_i32_0 = arith.constant 0 : i32
    return %arg0, %c0_i32 : i32, i32
  }
  func.func @transform_1(%arg0: i32) -> (i32, i32) {
    %add3A = arith.constant 25 : i32
    %add3A_0 = arith.addi %add3A, %arg0 : i32
    %c0_i32 = arith.constant 0 : i32
    %c0_i32_1 = arith.constant 0 : i32
    return %add3A_0, %c0_i32 : i32, i32
  }
  func.func @transform_2(%arg0: i32) -> (i32, i32) {
    %c0_i32 = arith.constant 0 : i32
    %c0_i32_0 = arith.constant 0 : i32
    %c0_i32_1 = arith.constant 0 : i32
    return %c0_i32, %c0_i32_0 : i32, i32
  }
  func.func @transform_3(%arg0: i32) -> (i32, i32) {
    %c0_i32 = arith.constant 0 : i32
    %c0_i32_0 = arith.constant 0 : i32
    %c0_i32_1 = arith.constant 0 : i32
    return %c0_i32, %c0_i32_0 : i32, i32
  }
  func.func @transform_4(%arg0: i32) -> (i32, i32) {
    %c0_i32 = arith.constant 0 : i32
    %c0_i32_0 = arith.constant 0 : i32
    %c0_i32_1 = arith.constant 0 : i32
    return %c0_i32, %c0_i32_0 : i32, i32
  }
  func.func @transform_5(%arg0: i32) -> (i32, i32) {
    %c0_i32 = arith.constant 0 : i32
    %c0_i32_0 = arith.constant 0 : i32
    %c0_i32_1 = arith.constant 0 : i32
    return %c0_i32, %c0_i32_0 : i32, i32
  }
  func.func @transform_6(%arg0: i32) -> (i32, i32) {
    %c0_i32 = arith.constant 0 : i32
    %c0_i32_0 = arith.constant 0 : i32
    %c0_i32_1 = arith.constant 0 : i32
    return %c0_i32, %c0_i32_0 : i32, i32
  }
  func.func @transform_7(%arg0: i32) -> (i32, i32) {
    %c0_i32 = arith.constant 0 : i32
    %c0_i32_0 = arith.constant 0 : i32
    %c0_i32_1 = arith.constant 0 : i32
    return %c0_i32, %c0_i32_0 : i32, i32
  }
  func.func @transform_8(%arg0: i32) -> (i32, i32) {
    %c0_i32 = arith.constant 0 : i32
    %c0_i32_0 = arith.constant 0 : i32
    %c0_i32_1 = arith.constant 0 : i32
    return %c0_i32, %c0_i32_0 : i32, i32
  }
  func.func @transform_9(%arg0: i32) -> (i32, i32) {
    %c0_i32 = arith.constant 0 : i32
    %c0_i32_0 = arith.constant 0 : i32
    %c0_i32_1 = arith.constant 0 : i32
    return %c0_i32, %c0_i32_0 : i32, i32
  }
  func.func @transform_10(%arg0: i32) -> (i32, i32) {
    %c0_i32 = arith.constant 0 : i32
    %c0_i32_0 = arith.constant 0 : i32
    return %arg0, %c0_i32 : i32, i32
  }
}

</mosaic_0001>

<sc_bundles>
// kernel: kernel.10.cloned.1.call-start
scs
__scs_entry_jumppad:
0x0: {  	(pc) =	sbr.rel $0x88, $3  }
0x1: {  	(tag) =	ssettag $0x0;
	lr =	simm.s32 $0x1  }
0x2: {  	[smem:$0x3F91] =	sst lr;
	_ =	strace $0xD0000000  }
0x3: {  	_ = 	snop  }
0x4: {  	_ = 	snop  }
0x5: {  	_ = 	snop  }
0x6: {  	_ = 	snop  }
0x7: {  	_ = 	snop  }
__scs_overlays_trampoline_lowered:
0x8: {  	[smem:$0x3FA0] =	sst s0  }
0x9: {  	[smem:$0x3FA1] =	sst s1  }
0xa: {  	[smem:$0x3FA2] =	sst s2  }
0xb: {  	[smem:$0x3FA3] =	sst s3  }
0xc: {  	[smem:$0x3FA4] =	sst s4  }
0xd: {  	[smem:$0x3FA5] =	sst s5  }
0xe: {  	[smem:$0x3FA6] =	sst s6  }
0xf: {  	[smem:$0x3FA7] =	sst s7  }
0x10: {  	[smem:$0x3FA8] =	sst s8  }
0x11: {  	[smem:$0x3FA9] =	sst s9;
	s0 =	simm.s32 @!p0 $0x0  }
0x12: {  	s1 =	sld [smem:$0x3F8F];
	s0 =	simm.s32 @p0 $0x1  }
0x13: {  	[smem:$0x3FAA] =	sst s0;
	s0 =	simm.s32 @!p1 $0x0  }
0x14: {  	s2 =	sld [smem:$0x3F8E];
	s0 =	simm.s32 @p1 $0x1  }
0x15: {  	[smem:$0x3FAB] =	sst s0;
	s0 =	simm.s32 @!p2 $0x0  }
0x16: {  	s3 =	sld [smem:$0x3FDB];
	s0 =	simm.s32 @p2 $0x1  }
0x17: {  	s4 =	simm.s32 $0x1BF5;
	[smem:$0x3FAD] =	sst s0  }
0x18: {  	s0 =	sld [smem:$0x3F90];
	_ =	swait.ge [sflag:s4], $0x0  }
0x19: {  	s7 =	sld [smem:$0x3F91]  }
0x1a: {  	s8 =	sadd.s32 $0xFFFFE003, lr  }
0x1b: {  	s9 =	sadd.s32 $0xFFFFFEF7, lr;
	s5 =	simm.s32 $0xFFFFFFFF;
	p2 =	slt.u32 s8, $0xFFFFF086  }
0x1c: {  	p1 =	slt.u32 s9, $0xF7A;
	s5 =	simm.s32 @!p2 $0x0  }
0x1d: {  	s5 =	simm.s32 @p1 $0x1;
	p0 =	seq.s32 s7, s2  }
0x1e: {  	s7 =	smul.u32 @!p0 $0xF7A, s2;
	p2 =	seq.s32 @!p0 s5, $0x0  }
0x1f: {  	s9 =	smul.u32 $0xF7A, s1;
	s8 =	simm.s32 @!p0 $0x1BF5;
	p2 =	por !p2, p0  }
0x20: {  	[sflag:s8] =	ssyncset.s32 @!p0 $0xFFFFF086;
	s6 =	sadd.s32 @!p0 s3, s7;
	s7 =	simm.s32 @!p0 $0x108  }
0x21: {  	s3 =	sadd.s32 s3, s9;
	s6 =	sadd.s32 @!p0 $0x88, s6;
	s7 =	simm.s32 @p2 $0x1082  }
0x22: {  	[simem:s7], [sflag:s8] =	dma.local @!p0 [hbm:s6], $0xF7A  }
0x23: {  	s9 =	sor.u32 $0xD0000000, s2;
	s6 =	simm.s32 $0x108;
	_ =	swait.ge @!p0 [sflag:s8], $0x0  }
0x24: {  	s3 =	sadd.s32 $0x88, s3;
	s6 =	simm.s32 @!p1 $0x1082;
	[sflag:s4] =	ssyncset.s32 $0xFFFFF086  }
0x25: {  	[simem:s6], [sflag:s4] =	dma.local [hbm:s3], $0xF7A  }
0x26: {  	[smem:$0x3F91] =	sst s1;
	(tag) =	ssettag s2;
	_ =	strace s9  }
0x27: {  	s1 =	sld [smem:$0x3FA1]  }
0x28: {  	s2 =	sld [smem:$0x3FA2]  }
0x29: {  	s4 =	sld [smem:$0x3FA4]  }
0x2a: {  	p0 =	seq.s32 s5, $0x0;
	s5 =	sld [smem:$0x3FA5]  }
0x2b: {  	s6 =	sld [smem:$0x3FA6]  }
0x2c: {  	s7 =	sld [smem:$0x3FA7]  }
0x2d: {  	s3 =	simm.s32 $0x108;
	s8 =	sld [smem:$0x3FA8]  }
0x2e: {  	s3 =	simm.s32 @!p0 $0x1082;
	s9 =	sld [smem:$0x3FA9]  }
0x2f: {  	lr =	sadd.s32 s0, s3;
	s0 =	sld [smem:$0x3FA0]  }
0x30: {  	s3 =	sld [smem:$0x3FA3]  }
0x31: {  	[smem:$0x3FAC] =	sst s10  }
0x32: {  	s10 =	sld [smem:$0x3FAA];
	_ =	sdelay $0x3  }
0x33: {  	p0 =	seq.s32 s10, $0x1;
	s10 =	sld [smem:$0x3FAC];
	_ =	sdelay $0x3  }
0x34: {  	[smem:$0x3FAC] =	sst s10  }
0x35: {  	s10 =	sld [smem:$0x3FAB];
	_ =	sdelay $0x3  }
0x36: {  	p1 =	seq.s32 s10, $0x1;
	s10 =	sld [smem:$0x3FAC];
	_ =	sdelay $0x3  }
0x37: {  	[smem:$0x3FAC] =	sst s10  }
0x38: {  	s10 =	sld [smem:$0x3FAD]  }
0x39: {  	_ = 	snop;
	(pc) =	sbr.ind lr, $3  }
0x3a: {  	_ = 	snop  }
0x3b: {  	_ = 	snop  }
0x3c: {  	p2 =	seq.s32 s10, $0x1;
	s10 =	sld [smem:$0x3FAC]  }
0x3d: {  	_ =	shalt  }
0x3e: {  	_ =	shalt  }
0x3f: {  	_ =	shalt  }
0x40: {  	_ =	shalt  }
0x41: {  	_ =	shalt  }
0x42: {  	_ =	shalt  }
0x43: {  	_ =	shalt  }
0x44: {  	_ =	shalt  }
0x45: {  	_ =	shalt  }
0x46: {  	_ =	shalt  }
0x47: {  	_ =	shalt  }
0x48: {  	_ =	shalt  }
0x49: {  	_ =	shalt  }
0x4a: {  	_ =	shalt  }
0x4b: {  	_ =	shalt  }
0x4c: {  	_ =	shalt  }
0x4d: {  	_ =	shalt  }
0x4e: {  	_ =	shalt  }
0x4f: {  	_ =	shalt  }
0x50: {  	_ =	shalt  }
0x51: {  	_ =	shalt  }
0x52: {  	_ =	shalt  }
0x53: {  	_ =	shalt  }
0x54: {  	_ =	shalt  }
0x55: {  	_ =	shalt  }
0x56: {  	_ =	shalt  }
0x57: {  	_ =	shalt  }
0x58: {  	_ =	shalt  }
0x59: {  	_ =	shalt  }
0x5a: {  	_ =	shalt  }
0x5b: {  	_ =	shalt  }
0x5c: {  	_ =	shalt  }
0x5d: {  	_ =	shalt  }
0x5e: {  	_ =	shalt  }
0x5f: {  	_ =	shalt  }
0x60: {  	_ =	shalt  }
0x61: {  	_ =	shalt  }
0x62: {  	_ =	shalt  }
0x63: {  	_ =	shalt  }
0x64: {  	_ =	shalt  }
0x65: {  	_ =	shalt  }
0x66: {  	_ =	shalt  }
0x67: {  	_ =	shalt  }
0x68: {  	_ =	shalt  }
0x69: {  	_ =	shalt  }
0x6a: {  	_ =	shalt  }
0x6b: {  	_ =	shalt  }
0x6c: {  	_ =	shalt  }
0x6d: {  	_ =	shalt  }
0x6e: {  	_ =	shalt  }
0x6f: {  	_ =	shalt  }
0x70: {  	_ =	shalt  }
0x71: {  	_ =	shalt  }
0x72: {  	_ =	shalt  }
0x73: {  	_ =	shalt  }
0x74: {  	_ =	shalt  }
0x75: {  	_ =	shalt  }
0x76: {  	_ =	shalt  }
0x77: {  	_ =	shalt  }
0x78: {  	_ =	shalt  }
0x79: {  	_ =	shalt  }
0x7a: {  	_ =	shalt  }
0x7b: {  	_ =	shalt  }
0x7c: {  	_ =	shalt  }
0x7d: {  	_ =	shalt  }
0x7e: {  	_ =	shalt  }
0x7f: {  	_ =	shalt  }
0x80: {  	_ =	shalt  }
0x81: {  	_ =	shalt  }
0x82: {  	_ =	shalt  }
0x83: {  	_ =	shalt  }
0x84: {  	_ =	shalt  }
0x85: {  	_ =	shalt  }
0x86: {  	_ =	shalt  }
0x87: {  	_ =	shalt  }
.Lfunc_end0:
.L_simem_size_0:
called_computation.1_lowered:
.L_overlay_start_0:
0x88: {  	s2 =	sld [smem:$0x3FD9]  }
0x89: {  	s3 =	sld [smem:$0x3FFE];
	_ =	sdelay $0x1  }
0x8a: {  	s1 =	srdreg.scid  }
0x8b: {  	s0 =	sand.u32 $0x1, s1  }
0x8c: {  	s16 =	sshll.u32 s0, $0xA;
	s2 =	sadd.s32 s3, s2  }
0x8d: {  	s2 =	sadd.s32 s2, s16  }
0x8e: {  	[smem:$0x3FB8] =	sst s2  }
0x8f: {  	_ = 	snop  }
0x90: {  	(tm) =	ssettm $0x1  }
0x91: {  	s17 =	sld [smem:$0x3FFB];
	_ =	sdelay $0x3  }
0x92: {  	_ =	strace s17  }
0x93: {  	s2 =	sld [smem:$0x3FFC];
	_ =	sdelay $0x3  }
0x94: {  	_ =	strace s2  }
0x95: {  	s2 =	sld [smem:$0x3FFD];
	_ =	sdelay $0x3  }
0x96: {  	_ =	strace s2  }
0x97: {  	_ =	strace $0x8FFFFFFF  }
0x98: {  	s18 =	sld [smem:$0x3FDB];
	_ =	sdelay $0x1  }
0x99: {  	s19 =	simm.s32 $_scs_section_size  }
0x9a: {  	s4 =	simm.s32 $_size__tile_overlayer_lowered;
	s5 =	simm.s32 $_tile_overlayer_lowered  }
0x9b: {  	s22 =	simm.s32 $0x1BFF;
	s21 =	sshll.u32 s5, $0x1;
	s2 =	sadd.s32 s19, s18  }
0x9c: {  	s6 =	simm.s32 $0x0;
	s20 =	sshll.u32 s4, $0x1;
	s4 =	sadd.s32 s21, s2  }
0x9d: {  	[timem:s6], [sflag:s22] =	dma.local [hbm:s4], s20  }
0x9e: {  	_ =	swait.ge [sflag:s22], s20  }
0x9f: {  	s3 =	ssub.s32 $0x0, s20;
	[sflag:s22] =	ssyncset.done $0x0  }
0xa0: {  	[sflag:s22] =	ssyncadd.s32 s3;
	_ =	sdelay $0x1  }
0xa1: {  	s23 =	simm.s32 $0x1B8B  }
0xa2: {  	_ =	swait.ge [sflag:s23], $0x1  }
0xa3: {  	[sflag:s23] =	ssyncset.done $0x0  }
0xa4: {  	s25 =	simm.s32 $0x1B8E;
	s24 =	sld [smem:$0x3FFE];
	[sflag:s23] =	ssyncadd.s32 $0xFFFFFFFF  }
0xa5: {  	s26 =	simm.s32 $execute0_lowered;
	[smem:$0x3FD2] =	sst s25  }
0xa6: {  	s4 =	sshll.u32 s26, $0x1;
	_ =	strace $0x80000049;
	[dreg:$0x1] =	wrdreg $0xFFFFFFFF  }
0xa7: {  	s28 =	simm.s32 $_size_execute0_lowered;
	s2 =	sadd.s32 s2, s4;
	[dreg:$0x0] =	wrdreg $0x0  }
0xa8: {  	s4 =	sshll.u32 s28, $0x1;
	[dreg:$0x2] =	wrdreg s2  }
0xa9: {  	[dreg:$0x3] =	wrdreg s4  }
0xaa: {  	[dreg:$0x4] =	wrdreg $0xC0  }
0xab: {  	_ =	task [dreg:s6], $0x5FFFF  }
0xac: {  	[dreg:$0x1] =	wrdreg $0xFFFFFFFF  }
0xad: {  	[dreg:$0x0] =	wrdreg $0x60  }
0xae: {  	[dreg:$0x2] =	wrdreg s24  }
0xaf: {  	[dreg:$0x3] =	wrdreg $0xB7800  }
0xb0: {  	[dreg:$0x4] =	wrdreg $0x9  }
0xb1: {  	_ =	task.clear_ibuf [dreg:s6], $0x5FFFF;
	_ =	strace $0x90000049  }
0xb2: {  	s29 =	simm.s32 $0x9;
	_ =	strace $0x8000004B  }
0xb3: {  	_ =	swait.ge [sflag:s29], $0x1  }
0xb4: {  	[sflag:s29] =	ssyncadd.s32 $0xFFFFFFFF  }
0xb5: {  	_ =	strace $0x9000004B  }
0xb6: {  	_ =	sfence  }
0xb7: {  	s30 =	sld [smem:$0x0];
	_ =	sdelay $0x2  }
0xb8: {  	s31 =	sshll.u32 s1, $0xD;
	s1 =	sshrl.u32 s1, $0x2  }
0xb9: {  	s3 =	sand.u32 $0x4000, s31;
	s1 =	sadd.s32 s1, s30  }
0xba: {  	s0 =	sor.u32 s3, s0;
	s1 =	sshll.u32 s1, $0x11  }
0xbb: {  	s0 =	sor.u32 s1, s0  }
0xbc: {  	s0 =	sadd.s32 $0x8F2B, s0  }
0xbd: {  	[sflag:s0] =	ssyncadd.remote.s32 $0x1  }
0xbe: {  	_ =	sfence.sel $0xFFFF  }
0xbf: {  	[dreg:$0x0] =	wrdreg $0xFFFFFFFF;
	(pc) =	sbr.abs _section_cstart, $3  }
0xc0: {  	[dreg:$0x1] =	wrdreg $0xFFFFFFFF  }
0xc1: {  	_ =	task.clear_ibuf [dreg:s6], $0x2FFFF;
	_ =	strace $0x9FFFFFFF  }
0xc2: {  	(tm) =	ssettm $0x7FFFFFFF  }
0xc3: {  	_ =	shalt  }
tec
execute0_lowered:
.L_overlay_start_1:
0x0: {  	(tag) =	ssettag $0x1  }
0x1: {  	s0 =	srdreg.scid;
	s5 =	rddreg [dreg:$0x0]  }
0x2: {  	s19 =	stileid.u32;
	s2 =	rddreg [dreg:$0x1];
	s21 =	simm.s32 $0x3  }
0x3: {  	s22 =	stileid.u32;
	s23 =	simm.s32 $0x6780;
	s28 =	simm.s32 $0x2  }
0x4: {  	s29 =	simm.s32 $0x6580;
	s30 =	simm.s32 $0x0;
	s0 =	sand.u32 $0x1, s0  }
0x5: {  	s6 =	sshll.u32 s19, $0x7;
	s7 =	smul.u32 $0x4E000, s19;
	s16 =	sadd.s32 $0x4FE400, s5  }
0x6: {  	s26 =	smul.u32 $0x2700, s19;
	p0 =	sne.s32 s19, $0xF;
	s1 =	sshll.u32 s0, $0x4  }
0x7: {  	s6 =	sand.u32 $0x380, s6;
	s8 =	ssub.s32 $0x2, s0;
	s15 =	smul.u32 $0x138800, s0  }
0x8: {  	s0 =	smul.u32 $0x27100, s0;
	s1 =	sor.u32 s19, s1;
	s25 =	sshrl.u32 s8, $0x1  }
0x9: {  	s7 =	sshrl.u32 s7, $0x2;
	s3 =	sshrl.u32 s1, $0x3;
	s1 =	sshll.u32 s1, $0xB  }
0xa: {  	s18 =	ssub.s32 s8, s25;
	s17 =	sshrl.u32 s15, $0x3;
	s15 =	sadd.s32 $0x138000, s2  }
0xb: {  	s0 =	sadd.s32 s26, s0;
	s25 =	simm.s32 $0x8F80;
	s26 =	simm.s32 $0x1  }
0xc: {  	s4 =	smul.u32 $0x13C00, s3;
	s3 =	simm.s32 $0x0;
	s1 =	sadd.s32 s1, s5  }
0xd: {  	s31 =	sadd.s32 s16, s17;
	s16 =	sadd.s32 s16, s0;
	s18 =	smax.u32 s18, $0x1  }
0xe: {  	[smem:$0x7FF] =	sst s3;
	s17 =	sadd.s32 $0x27000, s31;
	s4 =	sor.u32 s6, s4  }
0xf: {  	_ =	strace $0x8000004A;
	s6 =	sadd.s32 s7, s2;
	s7 =	sadd.s32 $0xC400, s1  }
0x10: {  	s4 =	sshrl.u32 s4, $0x3;
	s8 =	sadd.s32 $0x2800, s6;
	s9 =	sadd.s32 $0x5000, s6  }
0x11: {  	s10 =	sadd.s32 $0x7800, s6;
	s11 =	sadd.s32 $0xA000, s6;
	s12 =	sadd.s32 $0xC800, s6  }
0x12: {  	s13 =	sadd.s32 $0xF000, s6;
	s14 =	sadd.s32 $0x11800, s6;
	s24 =	sadd.s32 s4, s5  }
0x13: {  	v0 =	vimm.f32 $0.0e+00;
	s4 =	sadd.s32 $0x1C400, s5;
	s5 =	sadd.s32 $0x2600, s24;
	s24 =	simm.s32 $0x50  }
.LBB2_1:
0x14: {  	s0 =	simm.s32 $0x80;
	s1 =	simm.s32 $0x400  }
0x15: {  	[tilespmem:s3], [sflag:$0x3] =	stream.strided.gather [hbm4b:s5+s0], $0x2780, s1, s0, $0x38;
	[tilespmem:$0x1F000] =	vst v63  }
0x16: {  	_ =	swait.ge [sflag:s21], $0x2780  }
0x17: {  	[sflag:s21] =	ssyncset.done $0x0  }
0x18: {  	s31 =	simm.s32 $0x2780;
	[sflag:s21] =	ssyncadd.s32 $0xFFFFD880  }
0x19: {  	[tilespmem:s31], [sflag:$0x3] =	stream.linear.gather [hbm4b:s7+s3], $0x3E80, $0x38;
	[tilespmem:$0x1F000] =	vst v63  }
0x1a: {  	_ =	swait.ge [sflag:s21], $0x3E80  }
0x1b: {  	[sflag:s21] =	ssyncset.done $0x0  }
0x1c: {  	s0 =	simm.s32 $0x0;
	s1 =	simm.s32 $0x200;
	[sflag:s21] =	ssyncadd.s32 $0xFFFFC180  }
.LBB2_2:
0x1d: {  	p1 =	sne.s32 s1, $0x9E00;
	[tilespmem:s0+$0x67F0] =	vst v0  }
0x1e: {  	[tilespmem:s0+$0x6780] =	vst v0  }
0x1f: {  	[tilespmem:s0+$0x6790] =	vst v0  }
.Ltmp0:
0x20: {  	[tilespmem:s0+$0x67A0] =	vst v0;
	(pc) =	sbr.rel @p1 .LBB2_2-.Ltmp0, $4  }
0x21: {  	[tilespmem:s0+$0x67B0] =	vst v0  }
0x22: {  	[tilespmem:s0+$0x67C0] =	vst v0  }
0x23: {  	[tilespmem:s0+$0x67D0] =	vst v0  }
0x24: {  	[tilespmem:s0+$0x67E0] =	vst v0;
	s0 =	sshra.s32 s1, $0x2;
	s1 =	sadd.s32 $0x200, s1  }
0x25: {  	[tilespmem:s0+$0x67F0] =	vst v0  }
0x26: {  	[tilespmem:s0+$0x6780] =	vst v0  }
0x27: {  	[tilespmem:s0+$0x6790] =	vst v0  }
0x28: {  	[tilespmem:s0+$0x67A0] =	vst v0  }
0x29: {  	[tilespmem:s0+$0x67B0] =	vst v0  }
0x2a: {  	[tilespmem:s0+$0x67C0] =	vst v0  }
0x2b: {  	[tilespmem:s0+$0x67D0] =	vst v0  }
0x2c: {  	[tilespmem:s0+$0x67E0] =	vst v0  }
0x2d: {  	[spmem:s6] =	stream.linear.scatter [tilespmem:s23], [sflag:$0x3], $0x2800, $0x38;
	[tilespmem:$0x1F000] =	vst v63  }
0x2e: {  	_ =	swait.ge [sflag:s21], $0x2800  }
0x2f: {  	[sflag:s21] =	ssyncset.done $0x0  }
0x30: {  	[sflag:s21] =	ssyncadd.s32 $0xFFFFD800  }
0x31: {  	[spmem:s8] =	stream.linear.scatter [tilespmem:s23], [sflag:$0x3], $0x2800, $0x38;
	[tilespmem:$0x1F000] =	vst v63  }
0x32: {  	_ =	swait.ge [sflag:s21], $0x2800  }
0x33: {  	[sflag:s21] =	ssyncset.done $0x0  }
0x34: {  	[sflag:s21] =	ssyncadd.s32 $0xFFFFD800  }
0x35: {  	[spmem:s9] =	stream.linear.scatter [tilespmem:s23], [sflag:$0x3], $0x2800, $0x38;
	[tilespmem:$0x1F000] =	vst v63  }
0x36: {  	_ =	swait.ge [sflag:s21], $0x2800  }
0x37: {  	[sflag:s21] =	ssyncset.done $0x0  }
0x38: {  	[sflag:s21] =	ssyncadd.s32 $0xFFFFD800  }
0x39: {  	[spmem:s10] =	stream.linear.scatter [tilespmem:s23], [sflag:$0x3], $0x2800, $0x38;
	[tilespmem:$0x1F000] =	vst v63  }
0x3a: {  	_ =	swait.ge [sflag:s21], $0x2800  }
0x3b: {  	[sflag:s21] =	ssyncset.done $0x0  }
0x3c: {  	[sflag:s21] =	ssyncadd.s32 $0xFFFFD800  }
0x3d: {  	[spmem:s11] =	stream.linear.scatter [tilespmem:s23], [sflag:$0x3], $0x2800, $0x38;
	[tilespmem:$0x1F000] =	vst v63  }
0x3e: {  	_ =	swait.ge [sflag:s21], $0x2800  }
0x3f: {  	[sflag:s21] =	ssyncset.done $0x0  }
0x40: {  	[sflag:s21] =	ssyncadd.s32 $0xFFFFD800  }
0x41: {  	[spmem:s12] =	stream.linear.scatter [tilespmem:s23], [sflag:$0x3], $0x2800, $0x38;
	[tilespmem:$0x1F000] =	vst v63  }
0x42: {  	_ =	swait.ge [sflag:s21], $0x2800  }
0x43: {  	[sflag:s21] =	ssyncset.done $0x0  }
0x44: {  	[sflag:s21] =	ssyncadd.s32 $0xFFFFD800  }
0x45: {  	[spmem:s13] =	stream.linear.scatter [tilespmem:s23], [sflag:$0x3], $0x2800, $0x38;
	[tilespmem:$0x1F000] =	vst v63  }
0x46: {  	_ =	swait.ge [sflag:s21], $0x2800  }
0x47: {  	[sflag:s21] =	ssyncset.done $0x0  }
0x48: {  	[sflag:s21] =	ssyncadd.s32 $0xFFFFD800  }
0x49: {  	[spmem:s14] =	stream.linear.scatter [tilespmem:s23], [sflag:$0x3], $0x2000, $0x38;
	[tilespmem:$0x1F000] =	vst v63  }
0x4a: {  	_ =	swait.ge [sflag:s21], $0x2000  }
0x4b: {  	[sflag:s21] =	ssyncset.done $0x0  }
0x4c: {  	s0 =	simm.s32 @!p0 $0x6780;
	[sflag:s21] =	ssyncadd.s32 $0xFFFFE000  }
0x4d: {  	[spmem:s15] =	stream.linear.scatter @!p0 [tilespmem:s0], [sflag:$0x3], $0x800, $0x38;
	[tilespmem:$0x1F000] =	vst v63  }
0x4e: {  	s0 =	simm.s32 @!p0 $0x3  }
0x4f: {  	_ =	swait.ge @!p0 [sflag:s0], $0x800  }
0x50: {  	[sflag:s0] =	ssyncset.done @!p0 $0x0  }
0x51: {  	[sflag:s0] =	ssyncadd.s32 @!p0 $0xFFFFF800  }
0x52: {  	s19 =	simm.s32 $0x0;
	[bflag:$0x0] =	sbarrier.arrive $0xFFFF  }
0x53: {  	[tilespmem:s23], [sflag:$0x1] =	stream.indirect.gather [hbm4b:s4+s24], $0x80, s19, s24, $0xb8;
	[tilespmem:$0x1F000] =	vst v63  }
0x54: {  	s20 =	simm.s32 $0x50  }
0x55: {  	[tilespmem:s25], [sflag:$0x2] =	stream.indirect.gather [hbm4b:s4+s24], $0x80, s20, s24, $0xb8;
	[tilespmem:$0x1F000] =	vst v63  }
0x56: {  	_ =	swait.ge [sflag:s26], $0x2800  }
0x57: {  	[sflag:s26] =	ssyncset.done $0x0  }
0x58: {  	s1 =	simm.s32 $0x2780;
	[sflag:s26] =	ssyncadd.s32 $0xFFFFD800  }
0x59: {  	[spmem:s2] =	stream.indirect.scatter.add.f32 [tilespmem:s23], [sflag:$0x3], $0x80, s1, s24, $0xb8;
	[tilespmem:$0x1F000] =	vst v63  }
0x5a: {  	_ =	swait.ge [sflag:s21], $0x2800  }
0x5b: {  	[sflag:s21] =	ssyncset.done $0x0  }
0x5c: {  	s19 =	simm.s32 $0xA0;
	[sflag:s21] =	ssyncadd.s32 $0xFFFFD800  }
0x5d: {  	[tilespmem:s23], [sflag:$0x1] =	stream.indirect.gather [hbm4b:s4+s24], $0x80, s19, s24, $0xb8;
	[tilespmem:$0x1F000] =	vst v63  }
0x5e: {  	_ =	swait.ge [sflag:s28], $0x2800  }
0x5f: {  	[sflag:s28] =	ssyncset.done $0x0  }
0x60: {  	s20 =	simm.s32 $0x2800;
	[sflag:s28] =	ssyncadd.s32 $0xFFFFD800  }
0x61: {  	[spmem:s2] =	stream.indirect.scatter.add.f32 [tilespmem:s25], [sflag:$0x3], $0x80, s20, s24, $0xb8;
	[tilespmem:$0x1F000] =	vst v63  }
0x62: {  	s31 =	simm.s32 $0x140;
	_ =	swait.ge [sflag:s21], $0x2800  }
0x63: {  	s0 =	simm.s32 $0x800;
	s1 =	simm.s32 $0x400;
	[sflag:s21] =	ssyncset.done $0x0  }
.LBB2_4:
0x64: {  	p1 =	sne.s32 s0, $0xF400;
	s19 =	sadd.s32 $0xFFFFFFB0, s31;
	[sflag:s21] =	ssyncadd.s32 $0xFFFFD800  }
0x65: {  	[tilespmem:s25], [sflag:$0x2] =	stream.indirect.gather [hbm4b:s4+s24], $0x80, s19, s24, $0xb8;
	[tilespmem:$0x1F000] =	vst v63  }
0x66: {  	s19 =	smov.u32 s0;
	s0 =	sadd.s32 $0x400, s0;
	_ =	swait.ge [sflag:s26], $0x2800  }
0x67: {  	s20 =	sshra.s32 s1, $0x2;
	s1 =	smov.u32 s19;
	[sflag:s26] =	ssyncset.done $0x0  }
0x68: {  	s19 =	sadd.s32 $0x2780, s20;
	[sflag:s26] =	ssyncadd.s32 $0xFFFFD800  }
0x69: {  	[spmem:s2] =	stream.indirect.scatter.add.f32 [tilespmem:s23], [sflag:$0x3], $0x80, s19, s24, $0xb8;
	[tilespmem:$0x1F000] =	vst v63  }
0x6a: {  	_ =	swait.ge [sflag:s21], $0x2800  }
0x6b: {  	[sflag:s21] =	ssyncset.done $0x0  }
0x6c: {  	[sflag:s21] =	ssyncadd.s32 $0xFFFFD800  }
0x6d: {  	[tilespmem:s23], [sflag:$0x1] =	stream.indirect.gather [hbm4b:s4+s24], $0x80, s31, s24, $0xb8;
	[tilespmem:$0x1F000] =	vst v63  }
0x6e: {  	_ =	swait.ge [sflag:s28], $0x2800  }
.Ltmp1:
0x6f: {  	[sflag:s28] =	ssyncset.done $0x0;
	(pc) =	sbr.rel @p1 .LBB2_4-.Ltmp1, $4  }
0x70: {  	s19 =	sadd.s32 $0x2800, s20;
	[sflag:s28] =	ssyncadd.s32 $0xFFFFD800  }
0x71: {  	[spmem:s2] =	stream.indirect.scatter.add.f32 [tilespmem:s25], [sflag:$0x3], $0x80, s19, s24, $0xb8;
	[tilespmem:$0x1F000] =	vst v63  }
0x72: {  	_ =	swait.ge [sflag:s21], $0x2800  }
0x73: {  	s31 =	sadd.s32 $0xA0, s31;
	[sflag:s21] =	ssyncset.done $0x0  }
0x74: {  	s0 =	sadd.s32 $0xFFFFFFB0, s31;
	[sflag:s21] =	ssyncadd.s32 $0xFFFFD800  }
0x75: {  	[tilespmem:s25], [sflag:$0x2] =	stream.indirect.gather [hbm4b:s4+s24], $0x80, s0, s24, $0xb8;
	[tilespmem:$0x1F000] =	vst v63  }
0x76: {  	_ =	swait.ge [sflag:s26], $0x2800  }
0x77: {  	s19 =	sshra.s32 s1, $0x2;
	[sflag:s26] =	ssyncset.done $0x0  }
0x78: {  	s1 =	sadd.s32 $0x2780, s19;
	[sflag:s26] =	ssyncadd.s32 $0xFFFFD800  }
0x79: {  	[spmem:s2] =	stream.indirect.scatter.add.f32 [tilespmem:s23], [sflag:$0x3], $0x80, s1, s24, $0xb8;
	[tilespmem:$0x1F000] =	vst v63  }
0x7a: {  	_ =	swait.ge [sflag:s21], $0x2800  }
0x7b: {  	[sflag:s21] =	ssyncset.done $0x0  }
0x7c: {  	[sflag:s21] =	ssyncadd.s32 $0xFFFFD800  }
0x7d: {  	[tilespmem:s23], [sflag:$0x1] =	stream.indirect.gather [hbm4b:s4+s24], $0x80, s31, s24, $0xb8;
	[tilespmem:$0x1F000] =	vst v63  }
0x7e: {  	_ =	swait.ge [sflag:s28], $0x2800  }
0x7f: {  	[sflag:s28] =	ssyncset.done $0x0  }
0x80: {  	s0 =	sadd.s32 $0x2800, s19;
	[sflag:s28] =	ssyncadd.s32 $0xFFFFD800  }
0x81: {  	[spmem:s2] =	stream.indirect.scatter.add.f32 [tilespmem:s25], [sflag:$0x3], $0x80, s0, s24, $0xb8;
	[tilespmem:$0x1F000] =	vst v63  }
0x82: {  	_ =	swait.ge [sflag:s21], $0x2800  }
0x83: {  	[sflag:s21] =	ssyncset.done $0x0  }
0x84: {  	[sflag:s21] =	ssyncadd.s32 $0xFFFFD800  }
0x85: {  	_ =	swait.ge [sflag:s26], $0x2800  }
0x86: {  	[sflag:s26] =	ssyncset.done $0x0  }
0x87: {  	[sflag:s26] =	ssyncadd.s32 $0xFFFFD800  }
0x88: {  	[spmem:s2] =	stream.indirect.scatter.add.f32 [tilespmem:s23], [sflag:$0x3], $0x80, s29, s24, $0xb8;
	[tilespmem:$0x1F000] =	vst v63  }
0x89: {  	_ =	swait.ge [sflag:s21], $0x2800  }
0x8a: {  	[sflag:s21] =	ssyncset.done $0x0  }
0x8b: {  	s20 =	sshll.u32 s22, $0x6;
	[sflag:s21] =	ssyncadd.s32 $0xFFFFD800  }
0x8c: {  	s31 =	sshrl.u32 s6, $0x3;
	s0 =	sor.u32 $0x1C03, s20;
	[bflag:$0x0] =	sbarrier.arrive $0xFFFF  }
0x8d: {  	[hbm:s16], [sflag:s0] =	dma.local [spmem:s31], $0x2700  }
0x8e: {  	_ =	swait.ge [sflag:s21], $0x2700  }
0x8f: {  	s30 =	sadd.s32 $0x1, s30;
	[sflag:s21] =	ssyncset.done $0x0  }
0x90: {  	p1 =	sne.s32 s30, s18;
	s1 =	sshrl.u32 @!p0 s15, $0x3;
	[sflag:s21] =	ssyncadd.s32 $0xFFFFD900  }
0x91: {  	[hbm:s17], [sflag:s0] =	dma.local @!p0 [spmem:s1], $0x100  }
.Ltmp2:
0x92: {  	_ = 	snop;
	(pc) =	sbr.rel @p1 .LBB2_1-.Ltmp2, $4  }
0x93: {  	s0 =	simm.s32 @!p0 $0x3  }
0x94: {  	_ =	swait.ge @!p0 [sflag:s0], $0x100  }
0x95: {  	[sflag:s0] =	ssyncset.done @!p0 $0x0  }
0x96: {  	[sflag:s0] =	ssyncadd.s32 @!p0 $0xFFFFFF00  }
0x97: {  	_ =	sfence.sel $0x180000  }
0x98: {  	[bflag:$0x0] =	sbarrier.arrive $0xFFFF  }
0x99: {  	_ =	strace $0x9000004A  }
0x9a: {  	[bflag:$0x2] =	sbarrier.arrive $0xFFFF  }
0x9b: {  	p0 =	sne.s32 s22, $0x0;
	s0 =	rddreg [dreg:$0x2]  }
0x9c: {  	s0 =	sadd.s32 @!p0 $0x100000, s0  }
0x9d: {  	[sflag:s0] =	ssyncadd.tile.s32 @!p0 $0x1;
	_ =	shalt  }
.Lfunc_end2:
_tile_overlayer_lowered:
.L_overlay_start_2:
0x9e: {  	(tag) =	ssettag $0x2  }
0x9f: {  	s0 =	rddreg [dreg:$0x0];
	s2 =	stileid.u32  }
0xa0: {  	s1 =	rddreg [dreg:$0x1];
	p0 =	sne.s32 s2, $0x0  }
0xa1: {  	s3 =	rddreg [dreg:$0x2];
	[bflag:$0x3] =	sbarrier.arrive $0xFFFF;
	s2 =	simm.s32 @!p0 $0x1C03  }
0xa2: {  	[timem:s3], [sflag:s2] =	dma.local @!p0 [hbm:s0], s1  }
0xa3: {  	s0 =	simm.s32 @!p0 $0x3  }
0xa4: {  	_ =	swait.ge @!p0 [sflag:s0], s1  }
0xa5: {  	s1 =	ssub.s32 @!p0 $0x0, s1;
	[sflag:s0] =	ssyncset.done @!p0 $0x0  }
0xa6: {  	[sflag:s0] =	ssyncadd.s32 @!p0 s1  }
0xa7: {  	[bflag:$0x3] =	sbarrier.arrive $0xFFFF  }
0xa8: {  	_ =	shalt  }

// kernel: kernel.7.cloned.1.call-start
scs
__scs_entry_jumppad:
0x0: {  	(pc) =	sbr.rel $0x88, $3  }
0x1: {  	(tag) =	ssettag $0x0;
	lr =	simm.s32 $0x1  }
0x2: {  	[smem:$0x3F91] =	sst lr;
	_ =	strace $0xD0000000  }
0x3: {  	_ = 	snop  }
0x4: {  	_ = 	snop  }
0x5: {  	_ = 	snop  }
0x6: {  	_ = 	snop  }
0x7: {  	_ = 	snop  }
__scs_overlays_trampoline_lowered:
0x8: {  	[smem:$0x3FA0] =	sst s0  }
0x9: {  	[smem:$0x3FA1] =	sst s1  }
0xa: {  	[smem:$0x3FA2] =	sst s2  }
0xb: {  	[smem:$0x3FA3] =	sst s3  }
0xc: {  	[smem:$0x3FA4] =	sst s4  }
0xd: {  	[smem:$0x3FA5] =	sst s5  }
0xe: {  	[smem:$0x3FA6] =	sst s6  }
0xf: {  	[smem:$0x3FA7] =	sst s7  }
0x10: {  	[smem:$0x3FA8] =	sst s8  }
0x11: {  	[smem:$0x3FA9] =	sst s9;
	s0 =	simm.s32 @!p0 $0x0  }
0x12: {  	s1 =	sld [smem:$0x3F8F];
	s0 =	simm.s32 @p0 $0x1  }
0x13: {  	[smem:$0x3FAA] =	sst s0;
	s0 =	simm.s32 @!p1 $0x0  }
0x14: {  	s2 =	sld [smem:$0x3F8E];
	s0 =	simm.s32 @p1 $0x1  }
0x15: {  	[smem:$0x3FAB] =	sst s0;
	s0 =	simm.s32 @!p2 $0x0  }
0x16: {  	s3 =	sld [smem:$0x3FDB];
	s0 =	simm.s32 @p2 $0x1  }
0x17: {  	s4 =	simm.s32 $0x1BF5;
	[smem:$0x3FAD] =	sst s0  }
0x18: {  	s0 =	sld [smem:$0x3F90];
	_ =	swait.ge [sflag:s4], $0x0  }
0x19: {  	s7 =	sld [smem:$0x3F91]  }
0x1a: {  	s8 =	sadd.s32 $0xFFFFE003, lr  }
0x1b: {  	s9 =	sadd.s32 $0xFFFFFEF7, lr;
	s5 =	simm.s32 $0xFFFFFFFF;
	p2 =	slt.u32 s8, $0xFFFFF086  }
0x1c: {  	p1 =	slt.u32 s9, $0xF7A;
	s5 =	simm.s32 @!p2 $0x0  }
0x1d: {  	s5 =	simm.s32 @p1 $0x1;
	p0 =	seq.s32 s7, s2  }
0x1e: {  	s7 =	smul.u32 @!p0 $0xF7A, s2;
	p2 =	seq.s32 @!p0 s5, $0x0  }
0x1f: {  	s9 =	smul.u32 $0xF7A, s1;
	s8 =	simm.s32 @!p0 $0x1BF5;
	p2 =	por !p2, p0  }
0x20: {  	[sflag:s8] =	ssyncset.s32 @!p0 $0xFFFFF086;
	s6 =	sadd.s32 @!p0 s3, s7;
	s7 =	simm.s32 @!p0 $0x108  }
0x21: {  	s3 =	sadd.s32 s3, s9;
	s6 =	sadd.s32 @!p0 $0x88, s6;
	s7 =	simm.s32 @p2 $0x1082  }
0x22: {  	[simem:s7], [sflag:s8] =	dma.local @!p0 [hbm:s6], $0xF7A  }
0x23: {  	s9 =	sor.u32 $0xD0000000, s2;
	s6 =	simm.s32 $0x108;
	_ =	swait.ge @!p0 [sflag:s8], $0x0  }
0x24: {  	s3 =	sadd.s32 $0x88, s3;
	s6 =	simm.s32 @!p1 $0x1082;
	[sflag:s4] =	ssyncset.s32 $0xFFFFF086  }
0x25: {  	[simem:s6], [sflag:s4] =	dma.local [hbm:s3], $0xF7A  }
0x26: {  	[smem:$0x3F91] =	sst s1;
	(tag) =	ssettag s2;
	_ =	strace s9  }
0x27: {  	s1 =	sld [smem:$0x3FA1]  }
0x28: {  	s2 =	sld [smem:$0x3FA2]  }
0x29: {  	s4 =	sld [smem:$0x3FA4]  }
0x2a: {  	p0 =	seq.s32 s5, $0x0;
	s5 =	sld [smem:$0x3FA5]  }
0x2b: {  	s6 =	sld [smem:$0x3FA6]  }
0x2c: {  	s7 =	sld [smem:$0x3FA7]  }
0x2d: {  	s3 =	simm.s32 $0x108;
	s8 =	sld [smem:$0x3FA8]  }
0x2e: {  	s3 =	simm.s32 @!p0 $0x1082;
	s9 =	sld [smem:$0x3FA9]  }
0x2f: {  	lr =	sadd.s32 s0, s3;
	s0 =	sld [smem:$0x3FA0]  }
0x30: {  	s3 =	sld [smem:$0x3FA3]  }
0x31: {  	[smem:$0x3FAC] =	sst s10  }
0x32: {  	s10 =	sld [smem:$0x3FAA];
	_ =	sdelay $0x3  }
0x33: {  	p0 =	seq.s32 s10, $0x1;
	s10 =	sld [smem:$0x3FAC];
	_ =	sdelay $0x3  }
0x34: {  	[smem:$0x3FAC] =	sst s10  }
0x35: {  	s10 =	sld [smem:$0x3FAB];
	_ =	sdelay $0x3  }
0x36: {  	p1 =	seq.s32 s10, $0x1;
	s10 =	sld [smem:$0x3FAC];
	_ =	sdelay $0x3  }
0x37: {  	[smem:$0x3FAC] =	sst s10  }
0x38: {  	s10 =	sld [smem:$0x3FAD]  }
0x39: {  	_ = 	snop;
	(pc) =	sbr.ind lr, $3  }
0x3a: {  	_ = 	snop  }
0x3b: {  	_ = 	snop  }
0x3c: {  	p2 =	seq.s32 s10, $0x1;
	s10 =	sld [smem:$0x3FAC]  }
0x3d: {  	_ =	shalt  }
0x3e: {  	_ =	shalt  }
0x3f: {  	_ =	shalt  }
0x40: {  	_ =	shalt  }
0x41: {  	_ =	shalt  }
0x42: {  	_ =	shalt  }
0x43: {  	_ =	shalt  }
0x44: {  	_ =	shalt  }
0x45: {  	_ =	shalt  }
0x46: {  	_ =	shalt  }
0x47: {  	_ =	shalt  }
0x48: {  	_ =	shalt  }
0x49: {  	_ =	shalt  }
0x4a: {  	_ =	shalt  }
0x4b: {  	_ =	shalt  }
0x4c: {  	_ =	shalt  }
0x4d: {  	_ =	shalt  }
0x4e: {  	_ =	shalt  }
0x4f: {  	_ =	shalt  }
0x50: {  	_ =	shalt  }
0x51: {  	_ =	shalt  }
0x52: {  	_ =	shalt  }
0x53: {  	_ =	shalt  }
0x54: {  	_ =	shalt  }
0x55: {  	_ =	shalt  }
0x56: {  	_ =	shalt  }
0x57: {  	_ =	shalt  }
0x58: {  	_ =	shalt  }
0x59: {  	_ =	shalt  }
0x5a: {  	_ =	shalt  }
0x5b: {  	_ =	shalt  }
0x5c: {  	_ =	shalt  }
0x5d: {  	_ =	shalt  }
0x5e: {  	_ =	shalt  }
0x5f: {  	_ =	shalt  }
0x60: {  	_ =	shalt  }
0x61: {  	_ =	shalt  }
0x62: {  	_ =	shalt  }
0x63: {  	_ =	shalt  }
0x64: {  	_ =	shalt  }
0x65: {  	_ =	shalt  }
0x66: {  	_ =	shalt  }
0x67: {  	_ =	shalt  }
0x68: {  	_ =	shalt  }
0x69: {  	_ =	shalt  }
0x6a: {  	_ =	shalt  }
0x6b: {  	_ =	shalt  }
0x6c: {  	_ =	shalt  }
0x6d: {  	_ =	shalt  }
0x6e: {  	_ =	shalt  }
0x6f: {  	_ =	shalt  }
0x70: {  	_ =	shalt  }
0x71: {  	_ =	shalt  }
0x72: {  	_ =	shalt  }
0x73: {  	_ =	shalt  }
0x74: {  	_ =	shalt  }
0x75: {  	_ =	shalt  }
0x76: {  	_ =	shalt  }
0x77: {  	_ =	shalt  }
0x78: {  	_ =	shalt  }
0x79: {  	_ =	shalt  }
0x7a: {  	_ =	shalt  }
0x7b: {  	_ =	shalt  }
0x7c: {  	_ =	shalt  }
0x7d: {  	_ =	shalt  }
0x7e: {  	_ =	shalt  }
0x7f: {  	_ =	shalt  }
0x80: {  	_ =	shalt  }
0x81: {  	_ =	shalt  }
0x82: {  	_ =	shalt  }
0x83: {  	_ =	shalt  }
0x84: {  	_ =	shalt  }
0x85: {  	_ =	shalt  }
0x86: {  	_ =	shalt  }
0x87: {  	_ =	shalt  }
.Lfunc_end0:
.L_simem_size_0:
called_computation_lowered:
.L_overlay_start_0:
0x88: {  	s2 =	sld [smem:$0x3FD9]  }
0x89: {  	s3 =	sld [smem:$0x3FFE];
	_ =	sdelay $0x1  }
0x8a: {  	s1 =	srdreg.scid  }
0x8b: {  	s0 =	sand.u32 $0x1, s1  }
0x8c: {  	s16 =	sshll.u32 s0, $0xA;
	s2 =	sadd.s32 s3, s2  }
0x8d: {  	s2 =	sadd.s32 s2, s16  }
0x8e: {  	[smem:$0x3FB8] =	sst s2  }
0x8f: {  	_ = 	snop  }
0x90: {  	(tm) =	ssettm $0x1  }
0x91: {  	s17 =	sld [smem:$0x3FFB];
	_ =	sdelay $0x3  }
0x92: {  	_ =	strace s17  }
0x93: {  	s2 =	sld [smem:$0x3FFC];
	_ =	sdelay $0x3  }
0x94: {  	_ =	strace s2  }
0x95: {  	s2 =	sld [smem:$0x3FFD];
	_ =	sdelay $0x3  }
0x96: {  	_ =	strace s2  }
0x97: {  	_ =	strace $0x8FFFFFFF  }
0x98: {  	s18 =	sld [smem:$0x3FDB];
	_ =	sdelay $0x1  }
0x99: {  	s19 =	simm.s32 $_scs_section_size  }
0x9a: {  	s4 =	simm.s32 $_size__tile_overlayer_lowered;
	s5 =	simm.s32 $_tile_overlayer_lowered  }
0x9b: {  	s22 =	simm.s32 $0x1BFF;
	s21 =	sshll.u32 s5, $0x1;
	s2 =	sadd.s32 s19, s18  }
0x9c: {  	s6 =	simm.s32 $0x0;
	s20 =	sshll.u32 s4, $0x1;
	s4 =	sadd.s32 s21, s2  }
0x9d: {  	[timem:s6], [sflag:s22] =	dma.local [hbm:s4], s20  }
0x9e: {  	_ =	swait.ge [sflag:s22], s20  }
0x9f: {  	s3 =	ssub.s32 $0x0, s20;
	[sflag:s22] =	ssyncset.done $0x0  }
0xa0: {  	[sflag:s22] =	ssyncadd.s32 s3;
	_ =	sdelay $0x1  }
0xa1: {  	s23 =	simm.s32 $0x1B8B  }
0xa2: {  	_ =	swait.ge [sflag:s23], $0x1  }
0xa3: {  	[sflag:s23] =	ssyncset.done $0x0  }
0xa4: {  	s25 =	simm.s32 $0x1B8E;
	s24 =	sld [smem:$0x3FFE];
	[sflag:s23] =	ssyncadd.s32 $0xFFFFFFFF  }
0xa5: {  	s26 =	simm.s32 $execute0_lowered;
	[smem:$0x3FD2] =	sst s25  }
0xa6: {  	s4 =	sshll.u32 s26, $0x1;
	_ =	strace $0x80000046;
	[dreg:$0x1] =	wrdreg $0xFFFFFFFF  }
0xa7: {  	s28 =	simm.s32 $_size_execute0_lowered;
	s2 =	sadd.s32 s2, s4;
	[dreg:$0x0] =	wrdreg $0x0  }
0xa8: {  	s4 =	sshll.u32 s28, $0x1;
	[dreg:$0x2] =	wrdreg s2  }
0xa9: {  	[dreg:$0x3] =	wrdreg s4  }
0xaa: {  	[dreg:$0x4] =	wrdreg $0xC0  }
0xab: {  	_ =	task [dreg:s6], $0x5FFFF  }
0xac: {  	[dreg:$0x1] =	wrdreg $0xFFFFFFFF  }
0xad: {  	[dreg:$0x0] =	wrdreg $0x60  }
0xae: {  	[dreg:$0x2] =	wrdreg s24  }
0xaf: {  	[dreg:$0x3] =	wrdreg $0xB7800  }
0xb0: {  	[dreg:$0x4] =	wrdreg $0x9  }
0xb1: {  	_ =	task.clear_ibuf [dreg:s6], $0x5FFFF;
	_ =	strace $0x90000046  }
0xb2: {  	s29 =	simm.s32 $0x9;
	_ =	strace $0x80000048  }
0xb3: {  	_ =	swait.ge [sflag:s29], $0x1  }
0xb4: {  	[sflag:s29] =	ssyncadd.s32 $0xFFFFFFFF  }
0xb5: {  	_ =	strace $0x90000048  }
0xb6: {  	_ =	sfence  }
0xb7: {  	s30 =	sld [smem:$0x0];
	_ =	sdelay $0x2  }
0xb8: {  	s31 =	sshll.u32 s1, $0xD;
	s1 =	sshrl.u32 s1, $0x2  }
0xb9: {  	s3 =	sand.u32 $0x4000, s31;
	s1 =	sadd.s32 s1, s30  }
0xba: {  	s0 =	sor.u32 s3, s0;
	s1 =	sshll.u32 s1, $0x11  }
0xbb: {  	s0 =	sor.u32 s1, s0  }
0xbc: {  	s0 =	sadd.s32 $0x8F2B, s0  }
0xbd: {  	[sflag:s0] =	ssyncadd.remote.s32 $0x1  }
0xbe: {  	_ =	sfence.sel $0xFFFF  }
0xbf: {  	[dreg:$0x0] =	wrdreg $0xFFFFFFFF;
	(pc) =	sbr.abs _section_cstart, $3  }
0xc0: {  	[dreg:$0x1] =	wrdreg $0xFFFFFFFF  }
0xc1: {  	_ =	task.clear_ibuf [dreg:s6], $0x2FFFF;
	_ =	strace $0x9FFFFFFF  }
0xc2: {  	(tm) =	ssettm $0x7FFFFFFF  }
0xc3: {  	_ =	shalt  }
tec
execute0_lowered:
.L_overlay_start_1:
0x0: {  	(tag) =	ssettag $0x1  }
0x1: {  	s0 =	srdreg.scid;
	s5 =	rddreg [dreg:$0x0]  }
0x2: {  	s19 =	stileid.u32;
	s2 =	rddreg [dreg:$0x1];
	s21 =	simm.s32 $0x3  }
0x3: {  	s22 =	stileid.u32;
	s23 =	simm.s32 $0x6780;
	s28 =	simm.s32 $0x2  }
0x4: {  	s29 =	simm.s32 $0x6580;
	s30 =	simm.s32 $0x0;
	s0 =	sand.u32 $0x1, s0  }
0x5: {  	s6 =	sshll.u32 s19, $0x7;
	s7 =	smul.u32 $0x4E000, s19;
	s16 =	sadd.s32 $0x4FE400, s5  }
0x6: {  	s26 =	smul.u32 $0x2700, s19;
	p0 =	sne.s32 s19, $0xF;
	s1 =	sshll.u32 s0, $0x4  }
0x7: {  	s6 =	sand.u32 $0x380, s6;
	s8 =	ssub.s32 $0x2, s0;
	s15 =	smul.u32 $0x138800, s0  }
0x8: {  	s0 =	smul.u32 $0x27100, s0;
	s1 =	sor.u32 s19, s1;
	s25 =	sshrl.u32 s8, $0x1  }
0x9: {  	s7 =	sshrl.u32 s7, $0x2;
	s3 =	sshrl.u32 s1, $0x3;
	s1 =	sshll.u32 s1, $0xB  }
0xa: {  	s18 =	ssub.s32 s8, s25;
	s17 =	sshrl.u32 s15, $0x3;
	s15 =	sadd.s32 $0x138000, s2  }
0xb: {  	s0 =	sadd.s32 s26, s0;
	s25 =	simm.s32 $0x8F80;
	s26 =	simm.s32 $0x1  }
0xc: {  	s4 =	smul.u32 $0x13C00, s3;
	s3 =	simm.s32 $0x0;
	s1 =	sadd.s32 s1, s5  }
0xd: {  	s31 =	sadd.s32 s16, s17;
	s16 =	sadd.s32 s16, s0;
	s18 =	smax.u32 s18, $0x1  }
0xe: {  	[smem:$0x7FF] =	sst s3;
	s17 =	sadd.s32 $0x27000, s31;
	s4 =	sor.u32 s6, s4  }
0xf: {  	_ =	strace $0x80000047;
	s6 =	sadd.s32 s7, s2;
	s7 =	sadd.s32 $0xC400, s1  }
0x10: {  	s4 =	sshrl.u32 s4, $0x3;
	s8 =	sadd.s32 $0x2800, s6;
	s9 =	sadd.s32 $0x5000, s6  }
0x11: {  	s10 =	sadd.s32 $0x7800, s6;
	s11 =	sadd.s32 $0xA000, s6;
	s12 =	sadd.s32 $0xC800, s6  }
0x12: {  	s13 =	sadd.s32 $0xF000, s6;
	s14 =	sadd.s32 $0x11800, s6;
	s24 =	sadd.s32 s4, s5  }
0x13: {  	v0 =	vimm.f32 $0.0e+00;
	s4 =	sadd.s32 $0x1C400, s5;
	s5 =	sadd.s32 $0x2600, s24;
	s24 =	simm.s32 $0x50  }
.LBB2_1:
0x14: {  	s0 =	simm.s32 $0x80;
	s1 =	simm.s32 $0x400  }
0x15: {  	[tilespmem:s3], [sflag:$0x3] =	stream.strided.gather [hbm4b:s5+s0], $0x2780, s1, s0, $0x38;
	[tilespmem:$0x1F000] =	vst v63  }
0x16: {  	_ =	swait.ge [sflag:s21], $0x2780  }
0x17: {  	[sflag:s21] =	ssyncset.done $0x0  }
0x18: {  	s31 =	simm.s32 $0x2780;
	[sflag:s21] =	ssyncadd.s32 $0xFFFFD880  }
0x19: {  	[tilespmem:s31], [sflag:$0x3] =	stream.linear.gather [hbm4b:s7+s3], $0x3E80, $0x38;
	[tilespmem:$0x1F000] =	vst v63  }
0x1a: {  	_ =	swait.ge [sflag:s21], $0x3E80  }
0x1b: {  	[sflag:s21] =	ssyncset.done $0x0  }
0x1c: {  	s0 =	simm.s32 $0x0;
	s1 =	simm.s32 $0x200;
	[sflag:s21] =	ssyncadd.s32 $0xFFFFC180  }
.LBB2_2:
0x1d: {  	p1 =	sne.s32 s1, $0x9E00;
	[tilespmem:s0+$0x67F0] =	vst v0  }
0x1e: {  	[tilespmem:s0+$0x6780] =	vst v0  }
0x1f: {  	[tilespmem:s0+$0x6790] =	vst v0  }
.Ltmp0:
0x20: {  	[tilespmem:s0+$0x67A0] =	vst v0;
	(pc) =	sbr.rel @p1 .LBB2_2-.Ltmp0, $4  }
0x21: {  	[tilespmem:s0+$0x67B0] =	vst v0  }
0x22: {  	[tilespmem:s0+$0x67C0] =	vst v0  }
0x23: {  	[tilespmem:s0+$0x67D0] =	vst v0  }
0x24: {  	[tilespmem:s0+$0x67E0] =	vst v0;
	s0 =	sshra.s32 s1, $0x2;
	s1 =	sadd.s32 $0x200, s1  }
0x25: {  	[tilespmem:s0+$0x67F0] =	vst v0  }
0x26: {  	[tilespmem:s0+$0x6780] =	vst v0  }
0x27: {  	[tilespmem:s0+$0x6790] =	vst v0  }
0x28: {  	[tilespmem:s0+$0x67A0] =	vst v0  }
0x29: {  	[tilespmem:s0+$0x67B0] =	vst v0  }
0x2a: {  	[tilespmem:s0+$0x67C0] =	vst v0  }
0x2b: {  	[tilespmem:s0+$0x67D0] =	vst v0  }
0x2c: {  	[tilespmem:s0+$0x67E0] =	vst v0  }
0x2d: {  	[spmem:s6] =	stream.linear.scatter [tilespmem:s23], [sflag:$0x3], $0x2800, $0x38;
	[tilespmem:$0x1F000] =	vst v63  }
0x2e: {  	_ =	swait.ge [sflag:s21], $0x2800  }
0x2f: {  	[sflag:s21] =	ssyncset.done $0x0  }
0x30: {  	[sflag:s21] =	ssyncadd.s32 $0xFFFFD800  }
0x31: {  	[spmem:s8] =	stream.linear.scatter [tilespmem:s23], [sflag:$0x3], $0x2800, $0x38;
	[tilespmem:$0x1F000] =	vst v63  }
0x32: {  	_ =	swait.ge [sflag:s21], $0x2800  }
0x33: {  	[sflag:s21] =	ssyncset.done $0x0  }
0x34: {  	[sflag:s21] =	ssyncadd.s32 $0xFFFFD800  }
0x35: {  	[spmem:s9] =	stream.linear.scatter [tilespmem:s23], [sflag:$0x3], $0x2800, $0x38;
	[tilespmem:$0x1F000] =	vst v63  }
0x36: {  	_ =	swait.ge [sflag:s21], $0x2800  }
0x37: {  	[sflag:s21] =	ssyncset.done $0x0  }
0x38: {  	[sflag:s21] =	ssyncadd.s32 $0xFFFFD800  }
0x39: {  	[spmem:s10] =	stream.linear.scatter [tilespmem:s23], [sflag:$0x3], $0x2800, $0x38;
	[tilespmem:$0x1F000] =	vst v63  }
0x3a: {  	_ =	swait.ge [sflag:s21], $0x2800  }
0x3b: {  	[sflag:s21] =	ssyncset.done $0x0  }
0x3c: {  	[sflag:s21] =	ssyncadd.s32 $0xFFFFD800  }
0x3d: {  	[spmem:s11] =	stream.linear.scatter [tilespmem:s23], [sflag:$0x3], $0x2800, $0x38;
	[tilespmem:$0x1F000] =	vst v63  }
0x3e: {  	_ =	swait.ge [sflag:s21], $0x2800  }
0x3f: {  	[sflag:s21] =	ssyncset.done $0x0  }
0x40: {  	[sflag:s21] =	ssyncadd.s32 $0xFFFFD800  }
0x41: {  	[spmem:s12] =	stream.linear.scatter [tilespmem:s23], [sflag:$0x3], $0x2800, $0x38;
	[tilespmem:$0x1F000] =	vst v63  }
0x42: {  	_ =	swait.ge [sflag:s21], $0x2800  }
0x43: {  	[sflag:s21] =	ssyncset.done $0x0  }
0x44: {  	[sflag:s21] =	ssyncadd.s32 $0xFFFFD800  }
0x45: {  	[spmem:s13] =	stream.linear.scatter [tilespmem:s23], [sflag:$0x3], $0x2800, $0x38;
	[tilespmem:$0x1F000] =	vst v63  }
0x46: {  	_ =	swait.ge [sflag:s21], $0x2800  }
0x47: {  	[sflag:s21] =	ssyncset.done $0x0  }
0x48: {  	[sflag:s21] =	ssyncadd.s32 $0xFFFFD800  }
0x49: {  	[spmem:s14] =	stream.linear.scatter [tilespmem:s23], [sflag:$0x3], $0x2000, $0x38;
	[tilespmem:$0x1F000] =	vst v63  }
0x4a: {  	_ =	swait.ge [sflag:s21], $0x2000  }
0x4b: {  	[sflag:s21] =	ssyncset.done $0x0  }
0x4c: {  	s0 =	simm.s32 @!p0 $0x6780;
	[sflag:s21] =	ssyncadd.s32 $0xFFFFE000  }
0x4d: {  	[spmem:s15] =	stream.linear.scatter @!p0 [tilespmem:s0], [sflag:$0x3], $0x800, $0x38;
	[tilespmem:$0x1F000] =	vst v63  }
0x4e: {  	s0 =	simm.s32 @!p0 $0x3  }
0x4f: {  	_ =	swait.ge @!p0 [sflag:s0], $0x800  }
0x50: {  	[sflag:s0] =	ssyncset.done @!p0 $0x0  }
0x51: {  	[sflag:s0] =	ssyncadd.s32 @!p0 $0xFFFFF800  }
0x52: {  	s19 =	simm.s32 $0x0;
	[bflag:$0x0] =	sbarrier.arrive $0xFFFF  }
0x53: {  	[tilespmem:s23], [sflag:$0x1] =	stream.indirect.gather [hbm4b:s4+s24], $0x80, s19, s24, $0xb8;
	[tilespmem:$0x1F000] =	vst v63  }
0x54: {  	s20 =	simm.s32 $0x50  }
0x55: {  	[tilespmem:s25], [sflag:$0x2] =	stream.indirect.gather [hbm4b:s4+s24], $0x80, s20, s24, $0xb8;
	[tilespmem:$0x1F000] =	vst v63  }
0x56: {  	_ =	swait.ge [sflag:s26], $0x2800  }
0x57: {  	[sflag:s26] =	ssyncset.done $0x0  }
0x58: {  	s1 =	simm.s32 $0x2780;
	[sflag:s26] =	ssyncadd.s32 $0xFFFFD800  }
0x59: {  	[spmem:s2] =	stream.indirect.scatter.add.f32 [tilespmem:s23], [sflag:$0x3], $0x80, s1, s24, $0xb8;
	[tilespmem:$0x1F000] =	vst v63  }
0x5a: {  	_ =	swait.ge [sflag:s21], $0x2800  }
0x5b: {  	[sflag:s21] =	ssyncset.done $0x0  }
0x5c: {  	s19 =	simm.s32 $0xA0;
	[sflag:s21] =	ssyncadd.s32 $0xFFFFD800  }
0x5d: {  	[tilespmem:s23], [sflag:$0x1] =	stream.indirect.gather [hbm4b:s4+s24], $0x80, s19, s24, $0xb8;
	[tilespmem:$0x1F000] =	vst v63  }
0x5e: {  	_ =	swait.ge [sflag:s28], $0x2800  }
0x5f: {  	[sflag:s28] =	ssyncset.done $0x0  }
0x60: {  	s20 =	simm.s32 $0x2800;
	[sflag:s28] =	ssyncadd.s32 $0xFFFFD800  }
0x61: {  	[spmem:s2] =	stream.indirect.scatter.add.f32 [tilespmem:s25], [sflag:$0x3], $0x80, s20, s24, $0xb8;
	[tilespmem:$0x1F000] =	vst v63  }
0x62: {  	s31 =	simm.s32 $0x140;
	_ =	swait.ge [sflag:s21], $0x2800  }
0x63: {  	s0 =	simm.s32 $0x800;
	s1 =	simm.s32 $0x400;
	[sflag:s21] =	ssyncset.done $0x0  }
.LBB2_4:
0x64: {  	p1 =	sne.s32 s0, $0xF400;
	s19 =	sadd.s32 $0xFFFFFFB0, s31;
	[sflag:s21] =	ssyncadd.s32 $0xFFFFD800  }
0x65: {  	[tilespmem:s25], [sflag:$0x2] =	stream.indirect.gather [hbm4b:s4+s24], $0x80, s19, s24, $0xb8;
	[tilespmem:$0x1F000] =	vst v63  }
0x66: {  	s19 =	smov.u32 s0;
	s0 =	sadd.s32 $0x400, s0;
	_ =	swait.ge [sflag:s26], $0x2800  }
0x67: {  	s20 =	sshra.s32 s1, $0x2;
	s1 =	smov.u32 s19;
	[sflag:s26] =	ssyncset.done $0x0  }
0x68: {  	s19 =	sadd.s32 $0x2780, s20;
	[sflag:s26] =	ssyncadd.s32 $0xFFFFD800  }
0x69: {  	[spmem:s2] =	stream.indirect.scatter.add.f32 [tilespmem:s23], [sflag:$0x3], $0x80, s19, s24, $0xb8;
	[tilespmem:$0x1F000] =	vst v63  }
0x6a: {  	_ =	swait.ge [sflag:s21], $0x2800  }
0x6b: {  	[sflag:s21] =	ssyncset.done $0x0  }
0x6c: {  	[sflag:s21] =	ssyncadd.s32 $0xFFFFD800  }
0x6d: {  	[tilespmem:s23], [sflag:$0x1] =	stream.indirect.gather [hbm4b:s4+s24], $0x80, s31, s24, $0xb8;
	[tilespmem:$0x1F000] =	vst v63  }
0x6e: {  	_ =	swait.ge [sflag:s28], $0x2800  }
.Ltmp1:
0x6f: {  	[sflag:s28] =	ssyncset.done $0x0;
	(pc) =	sbr.rel @p1 .LBB2_4-.Ltmp1, $4  }
0x70: {  	s19 =	sadd.s32 $0x2800, s20;
	[sflag:s28] =	ssyncadd.s32 $0xFFFFD800  }
0x71: {  	[spmem:s2] =	stream.indirect.scatter.add.f32 [tilespmem:s25], [sflag:$0x3], $0x80, s19, s24, $0xb8;
	[tilespmem:$0x1F000] =	vst v63  }
0x72: {  	_ =	swait.ge [sflag:s21], $0x2800  }
0x73: {  	s31 =	sadd.s32 $0xA0, s31;
	[sflag:s21] =	ssyncset.done $0x0  }
0x74: {  	s0 =	sadd.s32 $0xFFFFFFB0, s31;
	[sflag:s21] =	ssyncadd.s32 $0xFFFFD800  }
0x75: {  	[tilespmem:s25], [sflag:$0x2] =	stream.indirect.gather [hbm4b:s4+s24], $0x80, s0, s24, $0xb8;
	[tilespmem:$0x1F000] =	vst v63  }
0x76: {  	_ =	swait.ge [sflag:s26], $0x2800  }
0x77: {  	s19 =	sshra.s32 s1, $0x2;
	[sflag:s26] =	ssyncset.done $0x0  }
0x78: {  	s1 =	sadd.s32 $0x2780, s19;
	[sflag:s26] =	ssyncadd.s32 $0xFFFFD800  }
0x79: {  	[spmem:s2] =	stream.indirect.scatter.add.f32 [tilespmem:s23], [sflag:$0x3], $0x80, s1, s24, $0xb8;
	[tilespmem:$0x1F000] =	vst v63  }
0x7a: {  	_ =	swait.ge [sflag:s21], $0x2800  }
0x7b: {  	[sflag:s21] =	ssyncset.done $0x0  }
0x7c: {  	[sflag:s21] =	ssyncadd.s32 $0xFFFFD800  }
0x7d: {  	[tilespmem:s23], [sflag:$0x1] =	stream.indirect.gather [hbm4b:s4+s24], $0x80, s31, s24, $0xb8;
	[tilespmem:$0x1F000] =	vst v63  }
0x7e: {  	_ =	swait.ge [sflag:s28], $0x2800  }
0x7f: {  	[sflag:s28] =	ssyncset.done $0x0  }
0x80: {  	s0 =	sadd.s32 $0x2800, s19;
	[sflag:s28] =	ssyncadd.s32 $0xFFFFD800  }
0x81: {  	[spmem:s2] =	stream.indirect.scatter.add.f32 [tilespmem:s25], [sflag:$0x3], $0x80, s0, s24, $0xb8;
	[tilespmem:$0x1F000] =	vst v63  }
0x82: {  	_ =	swait.ge [sflag:s21], $0x2800  }
0x83: {  	[sflag:s21] =	ssyncset.done $0x0  }
0x84: {  	[sflag:s21] =	ssyncadd.s32 $0xFFFFD800  }
0x85: {  	_ =	swait.ge [sflag:s26], $0x2800  }
0x86: {  	[sflag:s26] =	ssyncset.done $0x0  }
0x87: {  	[sflag:s26] =	ssyncadd.s32 $0xFFFFD800  }
0x88: {  	[spmem:s2] =	stream.indirect.scatter.add.f32 [tilespmem:s23], [sflag:$0x3], $0x80, s29, s24, $0xb8;
	[tilespmem:$0x1F000] =	vst v63  }
0x89: {  	_ =	swait.ge [sflag:s21], $0x2800  }
0x8a: {  	[sflag:s21] =	ssyncset.done $0x0  }
0x8b: {  	s20 =	sshll.u32 s22, $0x6;
	[sflag:s21] =	ssyncadd.s32 $0xFFFFD800  }
0x8c: {  	s31 =	sshrl.u32 s6, $0x3;
	s0 =	sor.u32 $0x1C03, s20;
	[bflag:$0x0] =	sbarrier.arrive $0xFFFF  }
0x8d: {  	[hbm:s16], [sflag:s0] =	dma.local [spmem:s31], $0x2700  }
0x8e: {  	_ =	swait.ge [sflag:s21], $0x2700  }
0x8f: {  	s30 =	sadd.s32 $0x1, s30;
	[sflag:s21] =	ssyncset.done $0x0  }
0x90: {  	p1 =	sne.s32 s30, s18;
	s1 =	sshrl.u32 @!p0 s15, $0x3;
	[sflag:s21] =	ssyncadd.s32 $0xFFFFD900  }
0x91: {  	[hbm:s17], [sflag:s0] =	dma.local @!p0 [spmem:s1], $0x100  }
.Ltmp2:
0x92: {  	_ = 	snop;
	(pc) =	sbr.rel @p1 .LBB2_1-.Ltmp2, $4  }
0x93: {  	s0 =	simm.s32 @!p0 $0x3  }
0x94: {  	_ =	swait.ge @!p0 [sflag:s0], $0x100  }
0x95: {  	[sflag:s0] =	ssyncset.done @!p0 $0x0  }
0x96: {  	[sflag:s0] =	ssyncadd.s32 @!p0 $0xFFFFFF00  }
0x97: {  	_ =	sfence.sel $0x180000  }
0x98: {  	[bflag:$0x0] =	sbarrier.arrive $0xFFFF  }
0x99: {  	_ =	strace $0x90000047  }
0x9a: {  	[bflag:$0x2] =	sbarrier.arrive $0xFFFF  }
0x9b: {  	p0 =	sne.s32 s22, $0x0;
	s0 =	rddreg [dreg:$0x2]  }
0x9c: {  	s0 =	sadd.s32 @!p0 $0x100000, s0  }
0x9d: {  	[sflag:s0] =	ssyncadd.tile.s32 @!p0 $0x1;
	_ =	shalt  }
.Lfunc_end2:
_tile_overlayer_lowered:
.L_overlay_start_2:
0x9e: {  	(tag) =	ssettag $0x2  }
0x9f: {  	s0 =	rddreg [dreg:$0x0];
	s2 =	stileid.u32  }
0xa0: {  	s1 =	rddreg [dreg:$0x1];
	p0 =	sne.s32 s2, $0x0  }
0xa1: {  	s3 =	rddreg [dreg:$0x2];
	[bflag:$0x3] =	sbarrier.arrive $0xFFFF;
	s2 =	simm.s32 @!p0 $0x1C03  }
0xa2: {  	[timem:s3], [sflag:s2] =	dma.local @!p0 [hbm:s0], s1  }
0xa3: {  	s0 =	simm.s32 @!p0 $0x3  }
0xa4: {  	_ =	swait.ge @!p0 [sflag:s0], s1  }
0xa5: {  	s1 =	ssub.s32 @!p0 $0x0, s1;
	[sflag:s0] =	ssyncset.done @!p0 $0x0  }
0xa6: {  	[sflag:s0] =	ssyncadd.s32 @!p0 s1  }
0xa7: {  	[bflag:$0x3] =	sbarrier.arrive $0xFFFF  }
0xa8: {  	_ =	shalt  }

</sc_bundles>
